<compile_context>
chip_gen: v7x
topology: tpu7x:2x2x1
jax: 0.10.2.dev20260603
libtpu: 0.0.44.dev20260713+nightly
codegen_flags: <defaults>
</compile_context>

<pallas_src>
import functools

import jax
import jax.numpy as jnp
from jax import lax
from jax.experimental import pallas as pl
from jax.experimental.pallas import tpu as pltpu
from jax.experimental.pallas import tpu_sc as plsc

_B, _S, _H, _E, _K = 4, 4096, 4096, 64, 8
_AUX_W = 0.01
_N = _B * _S
_NSPLIT = 2
_NT = _N // _NSPLIT

_MM_BLK = 512


def _mm_body(hs_ref, w_ref, out_ref):
    out_ref[...] = jax.lax.dot_general(
        hs_ref[...], w_ref[...], (((1,), (1,)), ((), ())),
        preferred_element_type=jnp.float32)


_NC, _NS, _L = 2, 16, 16
_NW = _NC * _NS
_CH = 64

_sc_mesh = plsc.VectorSubcoreMesh(
    core_axis_name="c", subcore_axis_name="s", num_cores=_NC, num_subcores=_NS)


def _make_sc_router(n_tok):
    tpw = n_tok // _NW
    nch = tpw // _CH

    @functools.partial(
        pl.kernel,
        out_type=[
            jax.ShapeDtypeStruct((n_tok * 512,), jnp.float32),
            jax.ShapeDtypeStruct((n_tok * _K,), jnp.float32),
            jax.ShapeDtypeStruct((_NW * _E,), jnp.float32),
        ],
        mesh=_sc_mesh,
        compiler_params=pltpu.CompilerParams(needs_layout_passes=False),
        scratch_types=[
            pltpu.VMEM((_CH * _E,), jnp.float32),
            pltpu.VMEM((_CH * _E,), jnp.float32),
            pltpu.VMEM((_CH * 512,), jnp.float32),
            pltpu.VMEM((_CH * 512,), jnp.float32),
            pltpu.VMEM((_CH * _K,), jnp.float32),
            pltpu.VMEM((_CH * _K,), jnp.float32),
            pltpu.VMEM((_CH * 16,), jnp.int32),
            pltpu.VMEM((_CH * 16,), jnp.int32),
            pltpu.VMEM((_E,), jnp.float32),
            pltpu.SemaphoreType.DMA,
            pltpu.SemaphoreType.DMA,
            pltpu.SemaphoreType.DMA,
            pltpu.SemaphoreType.DMA,
            pltpu.SemaphoreType.DMA,
            pltpu.SemaphoreType.DMA,
        ],
    )
    def _sc_router(log_hbm, disp_hbm, comb_hbm, esum_hbm,
                   log_v0, log_v1, disp_v0, disp_v1, comb_v0, comb_v1,
                   idx_v0, idx_v1, acc_v,
                   lin0, lin1, dout0, dout1, cout0, cout1):
        cid = lax.axis_index("c")
        sid = lax.axis_index("s")
        wid = sid * _NC + cid
        base = wid * tpw

        lane = lax.iota(jnp.int32, 16)
        lane_lt8 = lane < _K
        zero16 = jnp.zeros((16,), jnp.float32)
        one16 = jnp.ones((16,), jnp.float32)
        vals_base = [lane, lane + 16, lane + 32, lane + 48]

        log_v = (log_v0, log_v1)
        disp_v = (disp_v0, disp_v1)
        comb_v = (comb_v0, comb_v1)
        idx_v = (idx_v0, idx_v1)
        lin = (lin0, lin1)
        dout = (dout0, dout1)
        cout = (cout0, cout1)

        def _memset(ref, words):
            def mbody(i, carry):
                b = i * 128
                for j in range(8):
                    ref[pl.ds(b + j * 16, 16)] = zero16
                return carry
            lax.fori_loop(0, words // 128, mbody, 0)

        _memset(disp_v0, _CH * 512)
        _memset(disp_v1, _CH * 512)
        for j in range(_E // 16):
            acc_v[pl.ds(j * 16, 16)] = zero16

        def _log_slice(c):
            return log_hbm.at[pl.ds(base * _E + c * (_CH * _E), _CH * _E)]

        def _disp_slice(c):
            return disp_hbm.at[pl.ds((base + c * _CH) * 512, _CH * 512)]

        def _comb_slice(c):
            return comb_hbm.at[pl.ds((base + c * _CH) * _K, _CH * _K)]

        pltpu.async_copy(_log_slice(0), log_v0, lin0)
        pltpu.async_copy(_log_slice(1), log_v1, lin1)

        def _merge(a, b):
            mk = jnp.where(lane_lt8, a[0], lax.rev(b[0], (0,)))
            mv = jnp.where(lane_lt8, a[1], lax.rev(b[1], (0,)))
            return plsc.sort_key_val(mk, mv, descending=True)

        def _chunk(c, s):
            lv, dv, cv, iv = log_v[s], disp_v[s], comb_v[s], idx_v[s]
            pltpu.make_async_copy(_log_slice(c), lv, lin[s]).wait()

            def tok(t, carry):
                off = t * _E
                pairs = [
                    plsc.sort_key_val(lv[pl.ds(off + 16 * j, 16)],
                                      vals_base[j], descending=True)
                    for j in range(4)
                ]
                fk, fv = _merge(_merge(pairs[0], pairs[1]),
                                _merge(pairs[2], pairs[3]))
                kmax = jnp.max(fk)
                ex = jnp.where(lane_lt8, jnp.exp(fk - kmax), 0.0)
                wn = ex / jnp.sum(ex)
                sidx = t * 512 + (lane & 7) * _E + fv
                plsc.store_scatter(dv, [sidx], one16, mask=lane_lt8)
                iv[pl.ds(t * 16, 16)] = sidx
                plsc.store_scatter(cv, [t * _K + lane], wn, mask=lane_lt8)
                plsc.addupdate_scatter(acc_v, [fv], wn, mask=lane_lt8)
                return carry

            lax.fori_loop(0, _CH, tok, 0)
            pltpu.async_copy(dv, _disp_slice(c), dout[s])
            pltpu.async_copy(cv, _comb_slice(c), cout[s])

        def _cleanup(c, s):
            dv, cv, iv = disp_v[s], comb_v[s], idx_v[s]
            pltpu.make_async_copy(dv, _disp_slice(c), dout[s]).wait()
            pltpu.make_async_copy(cv, _comb_slice(c), cout[s]).wait()

            def clb(t, carry):
                sidx = iv[pl.ds(t * 16, 16)]
                plsc.store_scatter(dv, [sidx], zero16, mask=lane_lt8)
                return carry

            lax.fori_loop(0, _CH, clb, 0)

        def mloop(m, carry):
            for s in range(2):
                c = m * 2 + s

                @pl.when(m > 0)
                def _():
                    _cleanup(c - 2, s)

                _chunk(c, s)

                @pl.when(m < nch // 2 - 1)
                def _():
                    pltpu.async_copy(_log_slice(c + 2), log_v[s], lin[s])

            return carry

        lax.fori_loop(0, nch // 2, mloop, 0)

        for s in range(2):
            c = nch - 2 + s
            pltpu.make_async_copy(disp_v[s], _disp_slice(c), dout[s]).wait()
            pltpu.make_async_copy(comb_v[s], _comb_slice(c), cout[s]).wait()

        pltpu.sync_copy(acc_v, esum_hbm.at[pl.ds(wid * _E, _E)])

    return _sc_router


_sc_router_slice = _make_sc_router(_NT)


def _aux_body(es_ref, aux_ref):
    s = jnp.sum(es_ref[...], axis=0)
    aux_ref[0, 0] = jnp.sum(s * s) * (_AUX_W / _N)


def _matmul(hs_slice):
    return pl.pallas_call(
        _mm_body,
        grid=(_NT // _MM_BLK,),
        in_specs=[
            pl.BlockSpec((_MM_BLK, _H), lambda i: (i, 0)),
            pl.BlockSpec((_E, _H), lambda i: (0, 0)),
        ],
        out_specs=pl.BlockSpec((_MM_BLK, _E), lambda i: (i, 0)),
        out_shape=jax.ShapeDtypeStruct((_NT, _E), jnp.float32),
    )


def kernel(hidden_states, W):
    hs = hidden_states.reshape(_N, _H)
    disp_parts, comb_parts, esum_parts = [], [], []
    mm = _matmul(None)
    for i in range(_NSPLIT):
        hs_i = lax.slice_in_dim(hs, i * _NT, (i + 1) * _NT, axis=0)
        logits = mm(hs_i, W)
        d, cb, es = _sc_router_slice(logits.reshape(_NT * _E))
        disp_parts.append(d)
        comb_parts.append(cb)
        esum_parts.append(es)

    esum = jnp.concatenate(esum_parts).reshape(_NSPLIT * _NW, _E)
    aux = pl.pallas_call(
        _aux_body,
        in_specs=[pl.BlockSpec((_NSPLIT * _NW, _E), lambda: (0, 0))],
        out_specs=pl.BlockSpec(memory_space=pltpu.SMEM),
        out_shape=jax.ShapeDtypeStruct((1, 1), jnp.float32),
    )(esum)

    disp = jnp.concatenate(disp_parts)
    comb = jnp.concatenate(comb_parts)
    dispatch_mask = disp.reshape(_N, _K, _E)
    combine_weights = comb.reshape(_B, _S, _K, 1)
    return dispatch_mask, combine_weights, aux[0, 0]

# --- scband reference (transcript-rebuilt; emitter-appended) ---
"""Pipeline reference for scband-mo-erouter-72816875536956 (READ-ONLY COPY).

The authoritative reference and input builder live on the scoring server;
editing this copy changes nothing except your own understanding.
"""

import jax, jax.numpy as jnp
import numpy as np

B, S, H, E, K = 4, 4096, 4096, 64, 8
AUX_W = 0.01


def setup_inputs(seed: int = 0) -> dict:
    key = jax.random.key(seed)
    k1, k2 = jax.random.split(key)
    hidden_states = jax.random.normal(k1, (B, S, H), dtype=jnp.float32)
    # Learned router projection weight (torch nn.Linear weight layout [E, H]).
    # Torch init zeros it, but use small random values so topk/softmax is meaningful.
    W = jax.random.normal(k2, (E, H), dtype=jnp.float32) * 0.02
    return {"hidden_states": hidden_states, "W": W}


def reference(hidden_states, W):
    b, s, h = hidden_states.shape
    e = W.shape[0]
    k = K
    # router linear (no bias): hs @ W.T
    router_logits = jnp.einsum('bsh,eh->bse', hidden_states, W)
    router_logits = router_logits.reshape(-1, e)
    routing_probs = jax.nn.softmax(router_logits, axis=-1)
    routing_weights, selected_experts = jax.lax.top_k(routing_probs, k)
    routing_weights = routing_weights / jnp.sum(routing_weights, axis=-1, keepdims=True)
    n = router_logits.shape[0]
    # scatter_add_ of normalized routing weights into per-expert prob tensor
    router_prob_per_expert = jnp.zeros_like(routing_probs).at[
        jnp.arange(n)[:, None], selected_experts
    ].add(routing_weights)
    aux_loss = jnp.mean(
        jnp.sum(router_prob_per_expert, axis=0) * jnp.mean(router_prob_per_expert, axis=0)
    ) * e * AUX_W
    sel = selected_experts.reshape(b, s, k)
    rw = routing_weights.reshape(b, s, k)
    # expert_mask: scatter ones at selected expert indices == one_hot
    expert_mask = jax.nn.one_hot(sel, e, dtype=hidden_states.dtype)
    combine_weights = rw[..., None]
    dispatch_mask = expert_mask.reshape(-1, k, e)
    return (dispatch_mask, combine_weights, aux_loss)

if __name__ == "__main__":
    import jax
    _d = setup_inputs()
    print(jax.jit(kernel)(*tuple(_d.values())))

</pallas_src>

<mosaic_0001>
#map = affine_map<(d0, d1) -> (0)>
module attributes {stable_mosaic.version = 14 : i64} {
  func.func @_sc_router(%arg0: i32, %arg1: i32, %arg2: memref<524288xf32, #tpu.memory_space<hbm>>, %arg3: memref<4194304xf32, #tpu.memory_space<hbm>>, %arg4: memref<65536xf32, #tpu.memory_space<hbm>>, %arg5: memref<2048xf32, #tpu.memory_space<hbm>>, %arg6: memref<4096xf32, #tpu.memory_space<vmem>>, %arg7: memref<4096xf32, #tpu.memory_space<vmem>>, %arg8: memref<32768xf32, #tpu.memory_space<vmem>>, %arg9: memref<32768xf32, #tpu.memory_space<vmem>>, %arg10: memref<512xf32, #tpu.memory_space<vmem>>, %arg11: memref<512xf32, #tpu.memory_space<vmem>>, %arg12: memref<1024xi32, #tpu.memory_space<vmem>>, %arg13: memref<1024xi32, #tpu.memory_space<vmem>>, %arg14: memref<64xf32, #tpu.memory_space<vmem>>, %arg15: memref<!tpu.dma_semaphore, #tpu.memory_space<semaphore_mem>>, %arg16: memref<!tpu.dma_semaphore, #tpu.memory_space<semaphore_mem>>, %arg17: memref<!tpu.dma_semaphore, #tpu.memory_space<semaphore_mem>>, %arg18: memref<!tpu.dma_semaphore, #tpu.memory_space<semaphore_mem>>, %arg19: memref<!tpu.dma_semaphore, #tpu.memory_space<semaphore_mem>>, %arg20: memref<!tpu.dma_semaphore, #tpu.memory_space<semaphore_mem>>) attributes {dimension_semantics = [#tpu.dimension_semantics<core_parallel>, #tpu.dimension_semantics<subcore_parallel>], iteration_bounds = array<i64: 2, 16>, scalar_prefetch = 0 : i64, scratch_operands = 15 : i64, tpu.core_type = #tpu.core_type<sc_vector_subcore>, window_params = [{transform_indices = #map}, {transform_indices = #map}, {transform_indices = #map}, {transform_indices = #map}]} {
    %mul3A = arith.constant 2 : i32
    %mul3A_0 = arith.muli %arg1, %mul3A : i32
    %add3A = arith.addi %mul3A_0, %arg0 : i32
    %mul3A_1 = arith.constant 256 : i32
    %mul3A_2 = arith.muli %add3A, %mul3A_1 : i32
    %iota3A = tpu.iota {dimensions = array<i32: 0>} : vector<16xi32>
    %lt3A = arith.constant 8 : i32
    %lt3A_3 = vector.broadcast %lt3A : i32 to vector<16xi32>
    %lt3A_4 = arith.cmpi slt, %iota3A, %lt3A_3 : vector<16xi32>
    %broadcast_in_dim3A = arith.constant 0.000000e+00 : f32
    %broadcast_in_dim3A_5 = vector.broadcast %broadcast_in_dim3A : f32 to vector<16xf32>
    %broadcast_in_dim3A_6 = arith.constant 1.000000e+00 : f32
    %broadcast_in_dim3A_7 = vector.broadcast %broadcast_in_dim3A_6 : f32 to vector<16xf32>
    %add3A_8 = arith.constant 16 : i32
    %add3A_9 = vector.broadcast %add3A_8 : i32 to vector<16xi32>
    %add3A_10 = arith.addi %iota3A, %add3A_9 : vector<16xi32>
    %add3A_11 = arith.constant 32 : i32
    %add3A_12 = vector.broadcast %add3A_11 : i32 to vector<16xi32>
    %add3A_13 = arith.addi %iota3A, %add3A_12 : vector<16xi32>
    %add3A_14 = arith.constant 48 : i32
    %add3A_15 = vector.broadcast %add3A_14 : i32 to vector<16xi32>
    %add3A_16 = arith.addi %iota3A, %add3A_15 : vector<16xi32>
    %scan3A = arith.constant 0 : i32
    %scan3A_17 = arith.constant 0 : i32
    %scan3A_18 = arith.constant 256 : i32
    %scan3A_19 = arith.addi %scan3A_17, %scan3A_18 : i32
    %scan3A_20 = arith.constant 1 : i32
    scf.for %scan3A_77 = %scan3A_17 to %scan3A_19 step %scan3A_20  : i32 {
      %mul3A_78 = arith.constant 128 : i32
      %mul3A_79 = arith.muli %scan3A_77, %mul3A_78 : i32
      %add3A_80 = arith.constant 0 : i32
      %add3A_81 = arith.addi %mul3A_79, %add3A_80 : i32
      %swap3A_82 = arith.index_cast %add3A_81 : i32 to index
      %swap3A_83 = tpu.vector_load %arg8[%swap3A_82] {strides = array<i32>} : memref<32768xf32, #tpu.memory_space<vmem>>, vector<16xf32>,
      tpu.vector_store %arg8[%swap3A_82], %broadcast_in_dim3A_5 {strides = array<i32>} : memref<32768xf32, #tpu.memory_space<vmem>>, vector<16xf32>,
      %add3A_84 = arith.constant 16 : i32
      %add3A_85 = arith.addi %mul3A_79, %add3A_84 : i32
      %swap3A_86 = arith.index_cast %add3A_85 : i32 to index
      %swap3A_87 = tpu.vector_load %arg8[%swap3A_86] {strides = array<i32>} : memref<32768xf32, #tpu.memory_space<vmem>>, vector<16xf32>,
      tpu.vector_store %arg8[%swap3A_86], %broadcast_in_dim3A_5 {strides = array<i32>} : memref<32768xf32, #tpu.memory_space<vmem>>, vector<16xf32>,
      %add3A_88 = arith.constant 32 : i32
      %add3A_89 = arith.addi %mul3A_79, %add3A_88 : i32
      %swap3A_90 = arith.index_cast %add3A_89 : i32 to index
      %swap3A_91 = tpu.vector_load %arg8[%swap3A_90] {strides = array<i32>} : memref<32768xf32, #tpu.memory_space<vmem>>, vector<16xf32>,
      tpu.vector_store %arg8[%swap3A_90], %broadcast_in_dim3A_5 {strides = array<i32>} : memref<32768xf32, #tpu.memory_space<vmem>>, vector<16xf32>,
      %add3A_92 = arith.constant 48 : i32
      %add3A_93 = arith.addi %mul3A_79, %add3A_92 : i32
      %swap3A_94 = arith.index_cast %add3A_93 : i32 to index
      %swap3A_95 = tpu.vector_load %arg8[%swap3A_94] {strides = array<i32>} : memref<32768xf32, #tpu.memory_space<vmem>>, vector<16xf32>,
      tpu.vector_store %arg8[%swap3A_94], %broadcast_in_dim3A_5 {strides = array<i32>} : memref<32768xf32, #tpu.memory_space<vmem>>, vector<16xf32>,
      %add3A_96 = arith.constant 64 : i32
      %add3A_97 = arith.addi %mul3A_79, %add3A_96 : i32
      %swap3A_98 = arith.index_cast %add3A_97 : i32 to index
      %swap3A_99 = tpu.vector_load %arg8[%swap3A_98] {strides = array<i32>} : memref<32768xf32, #tpu.memory_space<vmem>>, vector<16xf32>,
      tpu.vector_store %arg8[%swap3A_98], %broadcast_in_dim3A_5 {strides = array<i32>} : memref<32768xf32, #tpu.memory_space<vmem>>, vector<16xf32>,
      %add3A_100 = arith.constant 80 : i32
      %add3A_101 = arith.addi %mul3A_79, %add3A_100 : i32
      %swap3A_102 = arith.index_cast %add3A_101 : i32 to index
      %swap3A_103 = tpu.vector_load %arg8[%swap3A_102] {strides = array<i32>} : memref<32768xf32, #tpu.memory_space<vmem>>, vector<16xf32>,
      tpu.vector_store %arg8[%swap3A_102], %broadcast_in_dim3A_5 {strides = array<i32>} : memref<32768xf32, #tpu.memory_space<vmem>>, vector<16xf32>,
      %add3A_104 = arith.constant 96 : i32
      %add3A_105 = arith.addi %mul3A_79, %add3A_104 : i32
      %swap3A_106 = arith.index_cast %add3A_105 : i32 to index
      %swap3A_107 = tpu.vector_load %arg8[%swap3A_106] {strides = array<i32>} : memref<32768xf32, #tpu.memory_space<vmem>>, vector<16xf32>,
      tpu.vector_store %arg8[%swap3A_106], %broadcast_in_dim3A_5 {strides = array<i32>} : memref<32768xf32, #tpu.memory_space<vmem>>, vector<16xf32>,
      %add3A_108 = arith.constant 112 : i32
      %add3A_109 = arith.addi %mul3A_79, %add3A_108 : i32
      %swap3A_110 = arith.index_cast %add3A_109 : i32 to index
      %swap3A_111 = tpu.vector_load %arg8[%swap3A_110] {strides = array<i32>} : memref<32768xf32, #tpu.memory_space<vmem>>, vector<16xf32>,
      tpu.vector_store %arg8[%swap3A_110], %broadcast_in_dim3A_5 {strides = array<i32>} : memref<32768xf32, #tpu.memory_space<vmem>>, vector<16xf32>,
    }
    %scan3A_21 = arith.constant 256 : i32
    %scan3A_22 = arith.constant 0 : i32
    %scan3A_23 = arith.constant 0 : i32
    %scan3A_24 = arith.constant 256 : i32
    %scan3A_25 = arith.addi %scan3A_23, %scan3A_24 : i32
    %scan3A_26 = arith.constant 1 : i32
    scf.for %scan3A_77 = %scan3A_23 to %scan3A_25 step %scan3A_26  : i32 {
      %mul3A_78 = arith.constant 128 : i32
      %mul3A_79 = arith.muli %scan3A_77, %mul3A_78 : i32
      %add3A_80 = arith.constant 0 : i32
      %add3A_81 = arith.addi %mul3A_79, %add3A_80 : i32
      %swap3A_82 = arith.index_cast %add3A_81 : i32 to index
      %swap3A_83 = tpu.vector_load %arg9[%swap3A_82] {strides = array<i32>} : memref<32768xf32, #tpu.memory_space<vmem>>, vector<16xf32>,
      tpu.vector_store %arg9[%swap3A_82], %broadcast_in_dim3A_5 {strides = array<i32>} : memref<32768xf32, #tpu.memory_space<vmem>>, vector<16xf32>,
      %add3A_84 = arith.constant 16 : i32
      %add3A_85 = arith.addi %mul3A_79, %add3A_84 : i32
      %swap3A_86 = arith.index_cast %add3A_85 : i32 to index
      %swap3A_87 = tpu.vector_load %arg9[%swap3A_86] {strides = array<i32>} : memref<32768xf32, #tpu.memory_space<vmem>>, vector<16xf32>,
      tpu.vector_store %arg9[%swap3A_86], %broadcast_in_dim3A_5 {strides = array<i32>} : memref<32768xf32, #tpu.memory_space<vmem>>, vector<16xf32>,
      %add3A_88 = arith.constant 32 : i32
      %add3A_89 = arith.addi %mul3A_79, %add3A_88 : i32
      %swap3A_90 = arith.index_cast %add3A_89 : i32 to index
      %swap3A_91 = tpu.vector_load %arg9[%swap3A_90] {strides = array<i32>} : memref<32768xf32, #tpu.memory_space<vmem>>, vector<16xf32>,
      tpu.vector_store %arg9[%swap3A_90], %broadcast_in_dim3A_5 {strides = array<i32>} : memref<32768xf32, #tpu.memory_space<vmem>>, vector<16xf32>,
      %add3A_92 = arith.constant 48 : i32
      %add3A_93 = arith.addi %mul3A_79, %add3A_92 : i32
      %swap3A_94 = arith.index_cast %add3A_93 : i32 to index
      %swap3A_95 = tpu.vector_load %arg9[%swap3A_94] {strides = array<i32>} : memref<32768xf32, #tpu.memory_space<vmem>>, vector<16xf32>,
      tpu.vector_store %arg9[%swap3A_94], %broadcast_in_dim3A_5 {strides = array<i32>} : memref<32768xf32, #tpu.memory_space<vmem>>, vector<16xf32>,
      %add3A_96 = arith.constant 64 : i32
      %add3A_97 = arith.addi %mul3A_79, %add3A_96 : i32
      %swap3A_98 = arith.index_cast %add3A_97 : i32 to index
      %swap3A_99 = tpu.vector_load %arg9[%swap3A_98] {strides = array<i32>} : memref<32768xf32, #tpu.memory_space<vmem>>, vector<16xf32>,
      tpu.vector_store %arg9[%swap3A_98], %broadcast_in_dim3A_5 {strides = array<i32>} : memref<32768xf32, #tpu.memory_space<vmem>>, vector<16xf32>,
      %add3A_100 = arith.constant 80 : i32
      %add3A_101 = arith.addi %mul3A_79, %add3A_100 : i32
      %swap3A_102 = arith.index_cast %add3A_101 : i32 to index
      %swap3A_103 = tpu.vector_load %arg9[%swap3A_102] {strides = array<i32>} : memref<32768xf32, #tpu.memory_space<vmem>>, vector<16xf32>,
      tpu.vector_store %arg9[%swap3A_102], %broadcast_in_dim3A_5 {strides = array<i32>} : memref<32768xf32, #tpu.memory_space<vmem>>, vector<16xf32>,
      %add3A_104 = arith.constant 96 : i32
      %add3A_105 = arith.addi %mul3A_79, %add3A_104 : i32
      %swap3A_106 = arith.index_cast %add3A_105 : i32 to index
      %swap3A_107 = tpu.vector_load %arg9[%swap3A_106] {strides = array<i32>} : memref<32768xf32, #tpu.memory_space<vmem>>, vector<16xf32>,
      tpu.vector_store %arg9[%swap3A_106], %broadcast_in_dim3A_5 {strides = array<i32>} : memref<32768xf32, #tpu.memory_space<vmem>>, vector<16xf32>,
      %add3A_108 = arith.constant 112 : i32
      %add3A_109 = arith.addi %mul3A_79, %add3A_108 : i32
      %swap3A_110 = arith.index_cast %add3A_109 : i32 to index
      %swap3A_111 = tpu.vector_load %arg9[%swap3A_110] {strides = array<i32>} : memref<32768xf32, #tpu.memory_space<vmem>>, vector<16xf32>,
      tpu.vector_store %arg9[%swap3A_110], %broadcast_in_dim3A_5 {strides = array<i32>} : memref<32768xf32, #tpu.memory_space<vmem>>, vector<16xf32>,
    }
    %scan3A_27 = arith.constant 256 : i32
    %swap3A = arith.constant 0 : index
    %swap3A_28 = tpu.vector_load %arg14[%swap3A] {strides = array<i32>} : memref<64xf32, #tpu.memory_space<vmem>>, vector<16xf32>,
    tpu.vector_store %arg14[%swap3A], %broadcast_in_dim3A_5 {strides = array<i32>} : memref<64xf32, #tpu.memory_space<vmem>>, vector<16xf32>,
    %swap3A_29 = arith.constant 16 : index
    %swap3A_30 = tpu.vector_load %arg14[%swap3A_29] {strides = array<i32>} : memref<64xf32, #tpu.memory_space<vmem>>, vector<16xf32>,
    tpu.vector_store %arg14[%swap3A_29], %broadcast_in_dim3A_5 {strides = array<i32>} : memref<64xf32, #tpu.memory_space<vmem>>, vector<16xf32>,
    %swap3A_31 = arith.constant 32 : index
    %swap3A_32 = tpu.vector_load %arg14[%swap3A_31] {strides = array<i32>} : memref<64xf32, #tpu.memory_space<vmem>>, vector<16xf32>,
    tpu.vector_store %arg14[%swap3A_31], %broadcast_in_dim3A_5 {strides = array<i32>} : memref<64xf32, #tpu.memory_space<vmem>>, vector<16xf32>,
    %swap3A_33 = arith.constant 48 : index
    %swap3A_34 = tpu.vector_load %arg14[%swap3A_33] {strides = array<i32>} : memref<64xf32, #tpu.memory_space<vmem>>, vector<16xf32>,
    tpu.vector_store %arg14[%swap3A_33], %broadcast_in_dim3A_5 {strides = array<i32>} : memref<64xf32, #tpu.memory_space<vmem>>, vector<16xf32>,
    %mul3A_35 = arith.constant 64 : i32
    %mul3A_36 = arith.muli %mul3A_2, %mul3A_35 : i32
    %add3A_37 = arith.constant 0 : i32
    %add3A_38 = arith.addi %mul3A_36, %add3A_37 : i32
    %dma_start3A = tpu.memref_slice %arg2[%add3A_38] : memref<524288xf32, #tpu.memory_space<hbm>> -> memref<4096xf32, #tpu.memory_space<hbm>>
    %dma_start3A_39 = tpu.memref_slice %arg2[%add3A_38] : memref<524288xf32, #tpu.memory_space<hbm>> -> memref<4096xf32, #tpu.memory_space<hbm>>
    tpu.enqueue_dma source(%dma_start3A_39 : memref<4096xf32, #tpu.memory_space<hbm>>) target(%arg6 : memref<4096xf32, #tpu.memory_space<vmem>>) target_semaphore(%arg15 : memref<!tpu.dma_semaphore, #tpu.memory_space<semaphore_mem>>)
    %mul3A_40 = arith.constant 64 : i32
    %mul3A_41 = arith.muli %mul3A_2, %mul3A_40 : i32
    %add3A_42 = arith.constant 4096 : i32
    %add3A_43 = arith.addi %mul3A_41, %add3A_42 : i32
    %dma_start3A_44 = tpu.memref_slice %arg2[%add3A_43] : memref<524288xf32, #tpu.memory_space<hbm>> -> memref<4096xf32, #tpu.memory_space<hbm>>
    %dma_start3A_45 = tpu.memref_slice %arg2[%add3A_43] : memref<524288xf32, #tpu.memory_space<hbm>> -> memref<4096xf32, #tpu.memory_space<hbm>>
    tpu.enqueue_dma source(%dma_start3A_45 : memref<4096xf32, #tpu.memory_space<hbm>>) target(%arg7 : memref<4096xf32, #tpu.memory_space<vmem>>) target_semaphore(%arg16 : memref<!tpu.dma_semaphore, #tpu.memory_space<semaphore_mem>>)
    %scan3A_46 = arith.constant 0 : i32
    %scan3A_47 = arith.constant 0 : i32
    %scan3A_48 = arith.constant 2 : i32
    %scan3A_49 = arith.addi %scan3A_47, %scan3A_48 : i32
    %scan3A_50 = arith.constant 1 : i32
    scf.for %scan3A_77 = %scan3A_47 to %scan3A_49 step %scan3A_50  : i32 {
      %mul3A_78 = arith.constant 2 : i32
      %mul3A_79 = arith.muli %scan3A_77, %mul3A_78 : i32
      %add3A_80 = arith.constant 0 : i32
      %add3A_81 = arith.addi %mul3A_79, %add3A_80 : i32
      %gt3A = arith.constant 0 : i32
      %gt3A_82 = arith.cmpi sgt, %scan3A_77, %gt3A : i32
      %convert_element_type3A = arith.extui %gt3A_82 : i1 to i32
      %cond3A = arith.constant 0 : i32
      %cond3A_83 = arith.cmpi ne, %convert_element_type3A, %cond3A : i32
      scf.if %cond3A_83 {
        %sub3A = arith.constant 2 : i32
        %sub3A_157 = arith.subi %add3A_81, %sub3A : i32
        %mul3A_158 = arith.constant 64 : i32
        %mul3A_159 = arith.muli %sub3A_157, %mul3A_158 : i32
        %add3A_160 = arith.addi %mul3A_2, %mul3A_159 : i32
        %mul3A_161 = arith.constant 512 : i32
        %mul3A_162 = arith.muli %add3A_160, %mul3A_161 : i32
        %dma_wait3A_163 = tpu.memref_slice %arg3[%mul3A_162] : memref<4194304xf32, #tpu.memory_space<hbm>> -> memref<32768xf32, #tpu.memory_space<hbm>>
        %dma_wait3A_164 = tpu.memref_slice %arg3[%mul3A_162] : memref<4194304xf32, #tpu.memory_space<hbm>> -> memref<32768xf32, #tpu.memory_space<hbm>>
        tpu.wait_dma2 semaphore(%arg17 : memref<!tpu.dma_semaphore, #tpu.memory_space<semaphore_mem>>) src(%arg8 : memref<32768xf32, #tpu.memory_space<vmem>>) dst(%dma_wait3A_164 : memref<32768xf32, #tpu.memory_space<hbm>>)
        %mul3A_165 = arith.constant 64 : i32
        %mul3A_166 = arith.muli %sub3A_157, %mul3A_165 : i32
        %add3A_167 = arith.addi %mul3A_2, %mul3A_166 : i32
        %mul3A_168 = arith.constant 8 : i32
        %mul3A_169 = arith.muli %add3A_167, %mul3A_168 : i32
        %dma_wait3A_170 = tpu.memref_slice %arg4[%mul3A_169] : memref<65536xf32, #tpu.memory_space<hbm>> -> memref<512xf32, #tpu.memory_space<hbm>>
        %dma_wait3A_171 = tpu.memref_slice %arg4[%mul3A_169] : memref<65536xf32, #tpu.memory_space<hbm>> -> memref<512xf32, #tpu.memory_space<hbm>>
        tpu.wait_dma2 semaphore(%arg19 : memref<!tpu.dma_semaphore, #tpu.memory_space<semaphore_mem>>) src(%arg10 : memref<512xf32, #tpu.memory_space<vmem>>) dst(%dma_wait3A_171 : memref<512xf32, #tpu.memory_space<hbm>>)
        %scan3A_172 = arith.constant 0 : i32
        %scan3A_173 = arith.constant 0 : i32
        %scan3A_174 = arith.constant 64 : i32
        %scan3A_175 = arith.addi %scan3A_173, %scan3A_174 : i32
        %scan3A_176 = arith.constant 1 : i32
        scf.for %scan3A_178 = %scan3A_173 to %scan3A_175 step %scan3A_176  : i32 {
          %mul3A_179 = arith.constant 16 : i32
          %mul3A_180 = arith.muli %scan3A_178, %mul3A_179 : i32
          %get3A = arith.index_cast %mul3A_180 : i32 to index
          %get3A_181 = tpu.vector_load %arg12[%get3A] {strides = array<i32>} : memref<1024xi32, #tpu.memory_space<vmem>>, vector<16xi32>,
          tpu.vector_store_idx %arg8[%get3A_181], %broadcast_in_dim3A_5 masked %lt3A_4 : memref<32768xf32, #tpu.memory_space<vmem>>[vector<16xi32>], vector<16xf32>, vector<16xi1>
        }
        %scan3A_177 = arith.constant 64 : i32
      } else {
      }
      %mul3A_84 = arith.constant 64 : i32
      %mul3A_85 = arith.muli %mul3A_2, %mul3A_84 : i32
      %mul3A_86 = arith.constant 4096 : i32
      %mul3A_87 = arith.muli %add3A_81, %mul3A_86 : i32
      %add3A_88 = arith.addi %mul3A_85, %mul3A_87 : i32
      %dma_wait3A_89 = tpu.memref_slice %arg2[%add3A_88] : memref<524288xf32, #tpu.memory_space<hbm>> -> memref<4096xf32, #tpu.memory_space<hbm>>
      %dma_wait3A_90 = tpu.memref_slice %arg2[%add3A_88] : memref<524288xf32, #tpu.memory_space<hbm>> -> memref<4096xf32, #tpu.memory_space<hbm>>
      tpu.wait_dma2 semaphore(%arg15 : memref<!tpu.dma_semaphore, #tpu.memory_space<semaphore_mem>>) src(%dma_wait3A_90 : memref<4096xf32, #tpu.memory_space<hbm>>) dst(%arg6 : memref<4096xf32, #tpu.memory_space<vmem>>)
      %scan3A_91 = arith.constant 0 : i32
      %scan3A_92 = arith.constant 0 : i32
      %scan3A_93 = arith.constant 64 : i32
      %scan3A_94 = arith.addi %scan3A_92, %scan3A_93 : i32
      %scan3A_95 = arith.constant 1 : i32
      scf.for %scan3A_157 = %scan3A_92 to %scan3A_94 step %scan3A_95  : i32 {
        %mul3A_158 = arith.constant 64 : i32
        %mul3A_159 = arith.muli %scan3A_157, %mul3A_158 : i32
        %add3A_160 = arith.constant 0 : i32
        %add3A_161 = arith.addi %mul3A_159, %add3A_160 : i32
        %get3A = arith.index_cast %add3A_161 : i32 to index
        %get3A_162 = tpu.vector_load %arg6[%get3A] {strides = array<i32>} : memref<4096xf32, #tpu.memory_space<vmem>>, vector<16xf32>,
        %masked_sort3A = arith.constant dense<true> : vector<16xi1>
        %masked_sort3A_163, %masked_sort3A_164, %masked_sort3A_165 = tpu.sort %get3A_162, %iota3A masked %masked_sort3A {descending = true} : (vector<16xf32>, vector<16xi32>, vector<16xi1>) -> (vector<16xi1>, vector<16xf32>, vector<16xi32>)
        %add3A_166 = arith.constant 16 : i32
        %add3A_167 = arith.addi %mul3A_159, %add3A_166 : i32
        %get3A_168 = arith.index_cast %add3A_167 : i32 to index
        %get3A_169 = tpu.vector_load %arg6[%get3A_168] {strides = array<i32>} : memref<4096xf32, #tpu.memory_space<vmem>>, vector<16xf32>,
        %masked_sort3A_170 = arith.constant dense<true> : vector<16xi1>
        %masked_sort3A_171, %masked_sort3A_172, %masked_sort3A_173 = tpu.sort %get3A_169, %add3A_10 masked %masked_sort3A_170 {descending = true} : (vector<16xf32>, vector<16xi32>, vector<16xi1>) -> (vector<16xi1>, vector<16xf32>, vector<16xi32>)
        %add3A_174 = arith.constant 32 : i32
        %add3A_175 = arith.addi %mul3A_159, %add3A_174 : i32
        %get3A_176 = arith.index_cast %add3A_175 : i32 to index
        %get3A_177 = tpu.vector_load %arg6[%get3A_176] {strides = array<i32>} : memref<4096xf32, #tpu.memory_space<vmem>>, vector<16xf32>,
        %masked_sort3A_178 = arith.constant dense<true> : vector<16xi1>
        %masked_sort3A_179, %masked_sort3A_180, %masked_sort3A_181 = tpu.sort %get3A_177, %add3A_13 masked %masked_sort3A_178 {descending = true} : (vector<16xf32>, vector<16xi32>, vector<16xi1>) -> (vector<16xi1>, vector<16xf32>, vector<16xi32>)
        %add3A_182 = arith.constant 48 : i32
        %add3A_183 = arith.addi %mul3A_159, %add3A_182 : i32
        %get3A_184 = arith.index_cast %add3A_183 : i32 to index
        %get3A_185 = tpu.vector_load %arg6[%get3A_184] {strides = array<i32>} : memref<4096xf32, #tpu.memory_space<vmem>>, vector<16xf32>,
        %masked_sort3A_186 = arith.constant dense<true> : vector<16xi1>
        %masked_sort3A_187, %masked_sort3A_188, %masked_sort3A_189 = tpu.sort %get3A_185, %add3A_16 masked %masked_sort3A_186 {descending = true} : (vector<16xf32>, vector<16xi32>, vector<16xi1>) -> (vector<16xi1>, vector<16xf32>, vector<16xi32>)
        %rev3A = arith.constant 15 : i32
        %rev3A_190 = vector.broadcast %rev3A : i32 to vector<16xi32>
        %rev3A_191 = tpu.iota {dimensions = array<i32: 0>} : vector<16xi32>
        %rev3A_192 = arith.subi %rev3A_190, %rev3A_191 : vector<16xi32>
        %rev3A_193 = tpu.dynamic_gather %masked_sort3A_172[%rev3A_192] in [0] : vector<16xf32>, vector<16xi32> -> vector<16xf32>
        %select_n3A = arith.select %lt3A_4, %masked_sort3A_164, %rev3A_193 : vector<16xi1>, vector<16xf32>
        %rev3A_194 = arith.constant 15 : i32
        %rev3A_195 = vector.broadcast %rev3A_194 : i32 to vector<16xi32>
        %rev3A_196 = tpu.iota {dimensions = array<i32: 0>} : vector<16xi32>
        %rev3A_197 = arith.subi %rev3A_195, %rev3A_196 : vector<16xi32>
        %rev3A_198 = tpu.dynamic_gather %masked_sort3A_173[%rev3A_197] in [0] : vector<16xi32>, vector<16xi32> -> vector<16xi32>
        %select_n3A_199 = arith.select %lt3A_4, %masked_sort3A_165, %rev3A_198 : vector<16xi1>, vector<16xi32>
        %masked_sort3A_200 = arith.constant dense<true> : vector<16xi1>
        %masked_sort3A_201, %masked_sort3A_202, %masked_sort3A_203 = tpu.sort %select_n3A, %select_n3A_199 masked %masked_sort3A_200 {descending = true} : (vector<16xf32>, vector<16xi32>, vector<16xi1>) -> (vector<16xi1>, vector<16xf32>, vector<16xi32>)
        %rev3A_204 = arith.constant 15 : i32
        %rev3A_205 = vector.broadcast %rev3A_204 : i32 to vector<16xi32>
        %rev3A_206 = tpu.iota {dimensions = array<i32: 0>} : vector<16xi32>
        %rev3A_207 = arith.subi %rev3A_205, %rev3A_206 : vector<16xi32>
        %rev3A_208 = tpu.dynamic_gather %masked_sort3A_188[%rev3A_207] in [0] : vector<16xf32>, vector<16xi32> -> vector<16xf32>
        %select_n3A_209 = arith.select %lt3A_4, %masked_sort3A_180, %rev3A_208 : vector<16xi1>, vector<16xf32>
        %rev3A_210 = arith.constant 15 : i32
        %rev3A_211 = vector.broadcast %rev3A_210 : i32 to vector<16xi32>
        %rev3A_212 = tpu.iota {dimensions = array<i32: 0>} : vector<16xi32>
        %rev3A_213 = arith.subi %rev3A_211, %rev3A_212 : vector<16xi32>
        %rev3A_214 = tpu.dynamic_gather %masked_sort3A_189[%rev3A_213] in [0] : vector<16xi32>, vector<16xi32> -> vector<16xi32>
        %select_n3A_215 = arith.select %lt3A_4, %masked_sort3A_181, %rev3A_214 : vector<16xi1>, vector<16xi32>
        %masked_sort3A_216 = arith.constant dense<true> : vector<16xi1>
        %masked_sort3A_217, %masked_sort3A_218, %masked_sort3A_219 = tpu.sort %select_n3A_209, %select_n3A_215 masked %masked_sort3A_216 {descending = true} : (vector<16xf32>, vector<16xi32>, vector<16xi1>) -> (vector<16xi1>, vector<16xf32>, vector<16xi32>)
        %rev3A_220 = arith.constant 15 : i32
        %rev3A_221 = vector.broadcast %rev3A_220 : i32 to vector<16xi32>
        %rev3A_222 = tpu.iota {dimensions = array<i32: 0>} : vector<16xi32>
        %rev3A_223 = arith.subi %rev3A_221, %rev3A_222 : vector<16xi32>
        %rev3A_224 = tpu.dynamic_gather %masked_sort3A_218[%rev3A_223] in [0] : vector<16xf32>, vector<16xi32> -> vector<16xf32>
        %select_n3A_225 = arith.select %lt3A_4, %masked_sort3A_202, %rev3A_224 : vector<16xi1>, vector<16xf32>
        %rev3A_226 = arith.constant 15 : i32
        %rev3A_227 = vector.broadcast %rev3A_226 : i32 to vector<16xi32>
        %rev3A_228 = tpu.iota {dimensions = array<i32: 0>} : vector<16xi32>
        %rev3A_229 = arith.subi %rev3A_227, %rev3A_228 : vector<16xi32>
        %rev3A_230 = tpu.dynamic_gather %masked_sort3A_219[%rev3A_229] in [0] : vector<16xi32>, vector<16xi32> -> vector<16xi32>
        %select_n3A_231 = arith.select %lt3A_4, %masked_sort3A_203, %rev3A_230 : vector<16xi1>, vector<16xi32>
        %masked_sort3A_232 = arith.constant dense<true> : vector<16xi1>
        %masked_sort3A_233, %masked_sort3A_234, %masked_sort3A_235 = tpu.sort %select_n3A_225, %select_n3A_231 masked %masked_sort3A_232 {descending = true} : (vector<16xf32>, vector<16xi32>, vector<16xi1>) -> (vector<16xi1>, vector<16xf32>, vector<16xi32>)
        %reduce_max3A = arith.constant true
        %reduce_max3A_236 = vector.broadcast %reduce_max3A : i1 to vector<16xi1>
        %reduce_max3A_237 = tpu.scan <max>, %masked_sort3A_234 masked %reduce_max3A_236 : vector<16xf32>, vector<16xi1> -> vector<16xf32>
        %reduce_max3A_238 = vector.extract %reduce_max3A_237[15] : f32 from vector<16xf32>
        %sub3A = vector.broadcast %reduce_max3A_238 : f32 to vector<16xf32>
        %sub3A_239 = arith.subf %masked_sort3A_234, %sub3A : vector<16xf32>
        %exp3A = math.exp %sub3A_239 : vector<16xf32>
        %jit3A = arith.constant 0.000000e+00 : f32
        %broadcast_in_dim3A_240 = vector.broadcast %jit3A : f32 to vector<16xf32>
        %select_n3A_241 = arith.select %lt3A_4, %exp3A, %broadcast_in_dim3A_240 : vector<16xi1>, vector<16xf32>
        %reduce_sum3A = arith.constant true
        %reduce_sum3A_242 = vector.broadcast %reduce_sum3A : i1 to vector<16xi1>
        %reduce_sum3A_243 = tpu.scan <sum>, %select_n3A_241 masked %reduce_sum3A_242 : vector<16xf32>, vector<16xi1> -> vector<16xf32>
        %reduce_sum3A_244 = vector.extract %reduce_sum3A_243[15] : f32 from vector<16xf32>
        %div3A = vector.broadcast %reduce_sum3A_244 : f32 to vector<16xf32>
        %div3A_245 = arith.divf %select_n3A_241, %div3A : vector<16xf32>
        %mul3A_246 = arith.constant 512 : i32
        %mul3A_247 = arith.muli %scan3A_157, %mul3A_246 : i32
        %and3A = arith.constant 7 : i32
        %and3A_248 = vector.broadcast %and3A : i32 to vector<16xi32>
        %and3A_249 = arith.andi %iota3A, %and3A_248 : vector<16xi32>
        %mul3A_250 = arith.constant 64 : i32
        %mul3A_251 = vector.broadcast %mul3A_250 : i32 to vector<16xi32>
        %mul3A_252 = arith.muli %and3A_249, %mul3A_251 : vector<16xi32>
        %add3A_253 = vector.broadcast %mul3A_247 : i32 to vector<16xi32>
        %add3A_254 = arith.addi %add3A_253, %mul3A_252 : vector<16xi32>
        %add3A_255 = arith.addi %add3A_254, %masked_sort3A_235 : vector<16xi32>
        tpu.vector_store_idx %arg8[%add3A_255], %broadcast_in_dim3A_7 masked %lt3A_4 : memref<32768xf32, #tpu.memory_space<vmem>>[vector<16xi32>], vector<16xf32>, vector<16xi1>
        %mul3A_256 = arith.constant 16 : i32
        %mul3A_257 = arith.muli %scan3A_157, %mul3A_256 : i32
        %swap3A_258 = arith.index_cast %mul3A_257 : i32 to index
        %swap3A_259 = tpu.vector_load %arg12[%swap3A_258] {strides = array<i32>} : memref<1024xi32, #tpu.memory_space<vmem>>, vector<16xi32>,
        tpu.vector_store %arg12[%swap3A_258], %add3A_255 {strides = array<i32>} : memref<1024xi32, #tpu.memory_space<vmem>>, vector<16xi32>,
        %mul3A_260 = arith.constant 8 : i32
        %mul3A_261 = arith.muli %scan3A_157, %mul3A_260 : i32
        %add3A_262 = vector.broadcast %mul3A_261 : i32 to vector<16xi32>
        %add3A_263 = arith.addi %add3A_262, %iota3A : vector<16xi32>
        tpu.vector_store_idx %arg10[%add3A_263], %div3A_245 masked %lt3A_4 : memref<512xf32, #tpu.memory_space<vmem>>[vector<16xi32>], vector<16xf32>, vector<16xi1>
        tpu.vector_store_idx %arg14[%masked_sort3A_235], %div3A_245 masked %lt3A_4 {add = true} : memref<64xf32, #tpu.memory_space<vmem>>[vector<16xi32>], vector<16xf32>, vector<16xi1>
      }
      %scan3A_96 = arith.constant 64 : i32
      %mul3A_97 = arith.constant 64 : i32
      %mul3A_98 = arith.muli %add3A_81, %mul3A_97 : i32
      %add3A_99 = arith.addi %mul3A_2, %mul3A_98 : i32
      %mul3A_100 = arith.constant 512 : i32
      %mul3A_101 = arith.muli %add3A_99, %mul3A_100 : i32
      %dma_start3A_102 = tpu.memref_slice %arg3[%mul3A_101] : memref<4194304xf32, #tpu.memory_space<hbm>> -> memref<32768xf32, #tpu.memory_space<hbm>>
      %dma_start3A_103 = tpu.memref_slice %arg3[%mul3A_101] : memref<4194304xf32, #tpu.memory_space<hbm>> -> memref<32768xf32, #tpu.memory_space<hbm>>
      tpu.enqueue_dma source(%arg8 : memref<32768xf32, #tpu.memory_space<vmem>>) target(%dma_start3A_103 : memref<32768xf32, #tpu.memory_space<hbm>>) target_semaphore(%arg17 : memref<!tpu.dma_semaphore, #tpu.memory_space<semaphore_mem>>)
      %mul3A_104 = arith.constant 64 : i32
      %mul3A_105 = arith.muli %add3A_81, %mul3A_104 : i32
      %add3A_106 = arith.addi %mul3A_2, %mul3A_105 : i32
      %mul3A_107 = arith.constant 8 : i32
      %mul3A_108 = arith.muli %add3A_106, %mul3A_107 : i32
      %dma_start3A_109 = tpu.memref_slice %arg4[%mul3A_108] : memref<65536xf32, #tpu.memory_space<hbm>> -> memref<512xf32, #tpu.memory_space<hbm>>
      %dma_start3A_110 = tpu.memref_slice %arg4[%mul3A_108] : memref<65536xf32, #tpu.memory_space<hbm>> -> memref<512xf32, #tpu.memory_space<hbm>>
      tpu.enqueue_dma source(%arg10 : memref<512xf32, #tpu.memory_space<vmem>>) target(%dma_start3A_110 : memref<512xf32, #tpu.memory_space<hbm>>) target_semaphore(%arg19 : memref<!tpu.dma_semaphore, #tpu.memory_space<semaphore_mem>>)
      %lt3A_111 = arith.constant 1 : i32
      %lt3A_112 = arith.cmpi slt, %scan3A_77, %lt3A_111 : i32
      %convert_element_type3A_113 = arith.extui %lt3A_112 : i1 to i32
      %cond3A_114 = arith.constant 0 : i32
      %cond3A_115 = arith.cmpi ne, %convert_element_type3A_113, %cond3A_114 : i32
      scf.if %cond3A_115 {
        %add3A_157 = arith.constant 2 : i32
        %add3A_158 = arith.addi %add3A_81, %add3A_157 : i32
        %mul3A_159 = arith.constant 64 : i32
        %mul3A_160 = arith.muli %mul3A_2, %mul3A_159 : i32
        %mul3A_161 = arith.constant 4096 : i32
        %mul3A_162 = arith.muli %add3A_158, %mul3A_161 : i32
        %add3A_163 = arith.addi %mul3A_160, %mul3A_162 : i32
        %dma_start3A_164 = tpu.memref_slice %arg2[%add3A_163] : memref<524288xf32, #tpu.memory_space<hbm>> -> memref<4096xf32, #tpu.memory_space<hbm>>
        %dma_start3A_165 = tpu.memref_slice %arg2[%add3A_163] : memref<524288xf32, #tpu.memory_space<hbm>> -> memref<4096xf32, #tpu.memory_space<hbm>>
        tpu.enqueue_dma source(%dma_start3A_165 : memref<4096xf32, #tpu.memory_space<hbm>>) target(%arg6 : memref<4096xf32, #tpu.memory_space<vmem>>) target_semaphore(%arg15 : memref<!tpu.dma_semaphore, #tpu.memory_space<semaphore_mem>>)
      } else {
      }
      %mul3A_116 = arith.constant 2 : i32
      %mul3A_117 = arith.muli %scan3A_77, %mul3A_116 : i32
      %add3A_118 = arith.constant 1 : i32
      %add3A_119 = arith.addi %mul3A_117, %add3A_118 : i32
      %gt3A_120 = arith.constant 0 : i32
      %gt3A_121 = arith.cmpi sgt, %scan3A_77, %gt3A_120 : i32
      %convert_element_type3A_122 = arith.extui %gt3A_121 : i1 to i32
      %cond3A_123 = arith.constant 0 : i32
      %cond3A_124 = arith.cmpi ne, %convert_element_type3A_122, %cond3A_123 : i32
      scf.if %cond3A_124 {
        %sub3A = arith.constant 2 : i32
        %sub3A_157 = arith.subi %add3A_119, %sub3A : i32
        %mul3A_158 = arith.constant 64 : i32
        %mul3A_159 = arith.muli %sub3A_157, %mul3A_158 : i32
        %add3A_160 = arith.addi %mul3A_2, %mul3A_159 : i32
        %mul3A_161 = arith.constant 512 : i32
        %mul3A_162 = arith.muli %add3A_160, %mul3A_161 : i32
        %dma_wait3A_163 = tpu.memref_slice %arg3[%mul3A_162] : memref<4194304xf32, #tpu.memory_space<hbm>> -> memref<32768xf32, #tpu.memory_space<hbm>>
        %dma_wait3A_164 = tpu.memref_slice %arg3[%mul3A_162] : memref<4194304xf32, #tpu.memory_space<hbm>> -> memref<32768xf32, #tpu.memory_space<hbm>>
        tpu.wait_dma2 semaphore(%arg18 : memref<!tpu.dma_semaphore, #tpu.memory_space<semaphore_mem>>) src(%arg9 : memref<32768xf32, #tpu.memory_space<vmem>>) dst(%dma_wait3A_164 : memref<32768xf32, #tpu.memory_space<hbm>>)
        %mul3A_165 = arith.constant 64 : i32
        %mul3A_166 = arith.muli %sub3A_157, %mul3A_165 : i32
        %add3A_167 = arith.addi %mul3A_2, %mul3A_166 : i32
        %mul3A_168 = arith.constant 8 : i32
        %mul3A_169 = arith.muli %add3A_167, %mul3A_168 : i32
        %dma_wait3A_170 = tpu.memref_slice %arg4[%mul3A_169] : memref<65536xf32, #tpu.memory_space<hbm>> -> memref<512xf32, #tpu.memory_space<hbm>>
        %dma_wait3A_171 = tpu.memref_slice %arg4[%mul3A_169] : memref<65536xf32, #tpu.memory_space<hbm>> -> memref<512xf32, #tpu.memory_space<hbm>>
        tpu.wait_dma2 semaphore(%arg20 : memref<!tpu.dma_semaphore, #tpu.memory_space<semaphore_mem>>) src(%arg11 : memref<512xf32, #tpu.memory_space<vmem>>) dst(%dma_wait3A_171 : memref<512xf32, #tpu.memory_space<hbm>>)
        %scan3A_172 = arith.constant 0 : i32
        %scan3A_173 = arith.constant 0 : i32
        %scan3A_174 = arith.constant 64 : i32
        %scan3A_175 = arith.addi %scan3A_173, %scan3A_174 : i32
        %scan3A_176 = arith.constant 1 : i32
        scf.for %scan3A_178 = %scan3A_173 to %scan3A_175 step %scan3A_176  : i32 {
          %mul3A_179 = arith.constant 16 : i32
          %mul3A_180 = arith.muli %scan3A_178, %mul3A_179 : i32
          %get3A = arith.index_cast %mul3A_180 : i32 to index
          %get3A_181 = tpu.vector_load %arg13[%get3A] {strides = array<i32>} : memref<1024xi32, #tpu.memory_space<vmem>>, vector<16xi32>,
          tpu.vector_store_idx %arg9[%get3A_181], %broadcast_in_dim3A_5 masked %lt3A_4 : memref<32768xf32, #tpu.memory_space<vmem>>[vector<16xi32>], vector<16xf32>, vector<16xi1>
        }
        %scan3A_177 = arith.constant 64 : i32
      } else {
      }
      %mul3A_125 = arith.constant 64 : i32
      %mul3A_126 = arith.muli %mul3A_2, %mul3A_125 : i32
      %mul3A_127 = arith.constant 4096 : i32
      %mul3A_128 = arith.muli %add3A_119, %mul3A_127 : i32
      %add3A_129 = arith.addi %mul3A_126, %mul3A_128 : i32
      %dma_wait3A_130 = tpu.memref_slice %arg2[%add3A_129] : memref<524288xf32, #tpu.memory_space<hbm>> -> memref<4096xf32, #tpu.memory_space<hbm>>
      %dma_wait3A_131 = tpu.memref_slice %arg2[%add3A_129] : memref<524288xf32, #tpu.memory_space<hbm>> -> memref<4096xf32, #tpu.memory_space<hbm>>
      tpu.wait_dma2 semaphore(%arg16 : memref<!tpu.dma_semaphore, #tpu.memory_space<semaphore_mem>>) src(%dma_wait3A_131 : memref<4096xf32, #tpu.memory_space<hbm>>) dst(%arg7 : memref<4096xf32, #tpu.memory_space<vmem>>)
      %scan3A_132 = arith.constant 0 : i32
      %scan3A_133 = arith.constant 0 : i32
      %scan3A_134 = arith.constant 64 : i32
      %scan3A_135 = arith.addi %scan3A_133, %scan3A_134 : i32
      %scan3A_136 = arith.constant 1 : i32
      scf.for %scan3A_157 = %scan3A_133 to %scan3A_135 step %scan3A_136  : i32 {
        %mul3A_158 = arith.constant 64 : i32
        %mul3A_159 = arith.muli %scan3A_157, %mul3A_158 : i32
        %add3A_160 = arith.constant 0 : i32
        %add3A_161 = arith.addi %mul3A_159, %add3A_160 : i32
        %get3A = arith.index_cast %add3A_161 : i32 to index
        %get3A_162 = tpu.vector_load %arg7[%get3A] {strides = array<i32>} : memref<4096xf32, #tpu.memory_space<vmem>>, vector<16xf32>,
        %masked_sort3A = arith.constant dense<true> : vector<16xi1>
        %masked_sort3A_163, %masked_sort3A_164, %masked_sort3A_165 = tpu.sort %get3A_162, %iota3A masked %masked_sort3A {descending = true} : (vector<16xf32>, vector<16xi32>, vector<16xi1>) -> (vector<16xi1>, vector<16xf32>, vector<16xi32>)
        %add3A_166 = arith.constant 16 : i32
        %add3A_167 = arith.addi %mul3A_159, %add3A_166 : i32
        %get3A_168 = arith.index_cast %add3A_167 : i32 to index
        %get3A_169 = tpu.vector_load %arg7[%get3A_168] {strides = array<i32>} : memref<4096xf32, #tpu.memory_space<vmem>>, vector<16xf32>,
        %masked_sort3A_170 = arith.constant dense<true> : vector<16xi1>
        %masked_sort3A_171, %masked_sort3A_172, %masked_sort3A_173 = tpu.sort %get3A_169, %add3A_10 masked %masked_sort3A_170 {descending = true} : (vector<16xf32>, vector<16xi32>, vector<16xi1>) -> (vector<16xi1>, vector<16xf32>, vector<16xi32>)
        %add3A_174 = arith.constant 32 : i32
        %add3A_175 = arith.addi %mul3A_159, %add3A_174 : i32
        %get3A_176 = arith.index_cast %add3A_175 : i32 to index
        %get3A_177 = tpu.vector_load %arg7[%get3A_176] {strides = array<i32>} : memref<4096xf32, #tpu.memory_space<vmem>>, vector<16xf32>,
        %masked_sort3A_178 = arith.constant dense<true> : vector<16xi1>
        %masked_sort3A_179, %masked_sort3A_180, %masked_sort3A_181 = tpu.sort %get3A_177, %add3A_13 masked %masked_sort3A_178 {descending = true} : (vector<16xf32>, vector<16xi32>, vector<16xi1>) -> (vector<16xi1>, vector<16xf32>, vector<16xi32>)
        %add3A_182 = arith.constant 48 : i32
        %add3A_183 = arith.addi %mul3A_159, %add3A_182 : i32
        %get3A_184 = arith.index_cast %add3A_183 : i32 to index
        %get3A_185 = tpu.vector_load %arg7[%get3A_184] {strides = array<i32>} : memref<4096xf32, #tpu.memory_space<vmem>>, vector<16xf32>,
        %masked_sort3A_186 = arith.constant dense<true> : vector<16xi1>
        %masked_sort3A_187, %masked_sort3A_188, %masked_sort3A_189 = tpu.sort %get3A_185, %add3A_16 masked %masked_sort3A_186 {descending = true} : (vector<16xf32>, vector<16xi32>, vector<16xi1>) -> (vector<16xi1>, vector<16xf32>, vector<16xi32>)
        %rev3A = arith.constant 15 : i32
        %rev3A_190 = vector.broadcast %rev3A : i32 to vector<16xi32>
        %rev3A_191 = tpu.iota {dimensions = array<i32: 0>} : vector<16xi32>
        %rev3A_192 = arith.subi %rev3A_190, %rev3A_191 : vector<16xi32>
        %rev3A_193 = tpu.dynamic_gather %masked_sort3A_172[%rev3A_192] in [0] : vector<16xf32>, vector<16xi32> -> vector<16xf32>
        %select_n3A = arith.select %lt3A_4, %masked_sort3A_164, %rev3A_193 : vector<16xi1>, vector<16xf32>
        %rev3A_194 = arith.constant 15 : i32
        %rev3A_195 = vector.broadcast %rev3A_194 : i32 to vector<16xi32>
        %rev3A_196 = tpu.iota {dimensions = array<i32: 0>} : vector<16xi32>
        %rev3A_197 = arith.subi %rev3A_195, %rev3A_196 : vector<16xi32>
        %rev3A_198 = tpu.dynamic_gather %masked_sort3A_173[%rev3A_197] in [0] : vector<16xi32>, vector<16xi32> -> vector<16xi32>
        %select_n3A_199 = arith.select %lt3A_4, %masked_sort3A_165, %rev3A_198 : vector<16xi1>, vector<16xi32>
        %masked_sort3A_200 = arith.constant dense<true> : vector<16xi1>
        %masked_sort3A_201, %masked_sort3A_202, %masked_sort3A_203 = tpu.sort %select_n3A, %select_n3A_199 masked %masked_sort3A_200 {descending = true} : (vector<16xf32>, vector<16xi32>, vector<16xi1>) -> (vector<16xi1>, vector<16xf32>, vector<16xi32>)
        %rev3A_204 = arith.constant 15 : i32
        %rev3A_205 = vector.broadcast %rev3A_204 : i32 to vector<16xi32>
        %rev3A_206 = tpu.iota {dimensions = array<i32: 0>} : vector<16xi32>
        %rev3A_207 = arith.subi %rev3A_205, %rev3A_206 : vector<16xi32>
        %rev3A_208 = tpu.dynamic_gather %masked_sort3A_188[%rev3A_207] in [0] : vector<16xf32>, vector<16xi32> -> vector<16xf32>
        %select_n3A_209 = arith.select %lt3A_4, %masked_sort3A_180, %rev3A_208 : vector<16xi1>, vector<16xf32>
        %rev3A_210 = arith.constant 15 : i32
        %rev3A_211 = vector.broadcast %rev3A_210 : i32 to vector<16xi32>
        %rev3A_212 = tpu.iota {dimensions = array<i32: 0>} : vector<16xi32>
        %rev3A_213 = arith.subi %rev3A_211, %rev3A_212 : vector<16xi32>
        %rev3A_214 = tpu.dynamic_gather %masked_sort3A_189[%rev3A_213] in [0] : vector<16xi32>, vector<16xi32> -> vector<16xi32>
        %select_n3A_215 = arith.select %lt3A_4, %masked_sort3A_181, %rev3A_214 : vector<16xi1>, vector<16xi32>
        %masked_sort3A_216 = arith.constant dense<true> : vector<16xi1>
        %masked_sort3A_217, %masked_sort3A_218, %masked_sort3A_219 = tpu.sort %select_n3A_209, %select_n3A_215 masked %masked_sort3A_216 {descending = true} : (vector<16xf32>, vector<16xi32>, vector<16xi1>) -> (vector<16xi1>, vector<16xf32>, vector<16xi32>)
        %rev3A_220 = arith.constant 15 : i32
        %rev3A_221 = vector.broadcast %rev3A_220 : i32 to vector<16xi32>
        %rev3A_222 = tpu.iota {dimensions = array<i32: 0>} : vector<16xi32>
        %rev3A_223 = arith.subi %rev3A_221, %rev3A_222 : vector<16xi32>
        %rev3A_224 = tpu.dynamic_gather %masked_sort3A_218[%rev3A_223] in [0] : vector<16xf32>, vector<16xi32> -> vector<16xf32>
        %select_n3A_225 = arith.select %lt3A_4, %masked_sort3A_202, %rev3A_224 : vector<16xi1>, vector<16xf32>
        %rev3A_226 = arith.constant 15 : i32
        %rev3A_227 = vector.broadcast %rev3A_226 : i32 to vector<16xi32>
        %rev3A_228 = tpu.iota {dimensions = array<i32: 0>} : vector<16xi32>
        %rev3A_229 = arith.subi %rev3A_227, %rev3A_228 : vector<16xi32>
        %rev3A_230 = tpu.dynamic_gather %masked_sort3A_219[%rev3A_229] in [0] : vector<16xi32>, vector<16xi32> -> vector<16xi32>
        %select_n3A_231 = arith.select %lt3A_4, %masked_sort3A_203, %rev3A_230 : vector<16xi1>, vector<16xi32>
        %masked_sort3A_232 = arith.constant dense<true> : vector<16xi1>
        %masked_sort3A_233, %masked_sort3A_234, %masked_sort3A_235 = tpu.sort %select_n3A_225, %select_n3A_231 masked %masked_sort3A_232 {descending = true} : (vector<16xf32>, vector<16xi32>, vector<16xi1>) -> (vector<16xi1>, vector<16xf32>, vector<16xi32>)
        %reduce_max3A = arith.constant true
        %reduce_max3A_236 = vector.broadcast %reduce_max3A : i1 to vector<16xi1>
        %reduce_max3A_237 = tpu.scan <max>, %masked_sort3A_234 masked %reduce_max3A_236 : vector<16xf32>, vector<16xi1> -> vector<16xf32>
        %reduce_max3A_238 = vector.extract %reduce_max3A_237[15] : f32 from vector<16xf32>
        %sub3A = vector.broadcast %reduce_max3A_238 : f32 to vector<16xf32>
        %sub3A_239 = arith.subf %masked_sort3A_234, %sub3A : vector<16xf32>
        %exp3A = math.exp %sub3A_239 : vector<16xf32>
        %jit3A = arith.constant 0.000000e+00 : f32
        %broadcast_in_dim3A_240 = vector.broadcast %jit3A : f32 to vector<16xf32>
        %select_n3A_241 = arith.select %lt3A_4, %exp3A, %broadcast_in_dim3A_240 : vector<16xi1>, vector<16xf32>
        %reduce_sum3A = arith.constant true
        %reduce_sum3A_242 = vector.broadcast %reduce_sum3A : i1 to vector<16xi1>
        %reduce_sum3A_243 = tpu.scan <sum>, %select_n3A_241 masked %reduce_sum3A_242 : vector<16xf32>, vector<16xi1> -> vector<16xf32>
        %reduce_sum3A_244 = vector.extract %reduce_sum3A_243[15] : f32 from vector<16xf32>
        %div3A = vector.broadcast %reduce_sum3A_244 : f32 to vector<16xf32>
        %div3A_245 = arith.divf %select_n3A_241, %div3A : vector<16xf32>
        %mul3A_246 = arith.constant 512 : i32
        %mul3A_247 = arith.muli %scan3A_157, %mul3A_246 : i32
        %and3A = arith.constant 7 : i32
        %and3A_248 = vector.broadcast %and3A : i32 to vector<16xi32>
        %and3A_249 = arith.andi %iota3A, %and3A_248 : vector<16xi32>
        %mul3A_250 = arith.constant 64 : i32
        %mul3A_251 = vector.broadcast %mul3A_250 : i32 to vector<16xi32>
        %mul3A_252 = arith.muli %and3A_249, %mul3A_251 : vector<16xi32>
        %add3A_253 = vector.broadcast %mul3A_247 : i32 to vector<16xi32>
        %add3A_254 = arith.addi %add3A_253, %mul3A_252 : vector<16xi32>
        %add3A_255 = arith.addi %add3A_254, %masked_sort3A_235 : vector<16xi32>
        tpu.vector_store_idx %arg9[%add3A_255], %broadcast_in_dim3A_7 masked %lt3A_4 : memref<32768xf32, #tpu.memory_space<vmem>>[vector<16xi32>], vector<16xf32>, vector<16xi1>
        %mul3A_256 = arith.constant 16 : i32
        %mul3A_257 = arith.muli %scan3A_157, %mul3A_256 : i32
        %swap3A_258 = arith.index_cast %mul3A_257 : i32 to index
        %swap3A_259 = tpu.vector_load %arg13[%swap3A_258] {strides = array<i32>} : memref<1024xi32, #tpu.memory_space<vmem>>, vector<16xi32>,
        tpu.vector_store %arg13[%swap3A_258], %add3A_255 {strides = array<i32>} : memref<1024xi32, #tpu.memory_space<vmem>>, vector<16xi32>,
        %mul3A_260 = arith.constant 8 : i32
        %mul3A_261 = arith.muli %scan3A_157, %mul3A_260 : i32
        %add3A_262 = vector.broadcast %mul3A_261 : i32 to vector<16xi32>
        %add3A_263 = arith.addi %add3A_262, %iota3A : vector<16xi32>
        tpu.vector_store_idx %arg11[%add3A_263], %div3A_245 masked %lt3A_4 : memref<512xf32, #tpu.memory_space<vmem>>[vector<16xi32>], vector<16xf32>, vector<16xi1>
        tpu.vector_store_idx %arg14[%masked_sort3A_235], %div3A_245 masked %lt3A_4 {add = true} : memref<64xf32, #tpu.memory_space<vmem>>[vector<16xi32>], vector<16xf32>, vector<16xi1>
      }
      %scan3A_137 = arith.constant 64 : i32
      %mul3A_138 = arith.constant 64 : i32
      %mul3A_139 = arith.muli %add3A_119, %mul3A_138 : i32
      %add3A_140 = arith.addi %mul3A_2, %mul3A_139 : i32
      %mul3A_141 = arith.constant 512 : i32
      %mul3A_142 = arith.muli %add3A_140, %mul3A_141 : i32
      %dma_start3A_143 = tpu.memref_slice %arg3[%mul3A_142] : memref<4194304xf32, #tpu.memory_space<hbm>> -> memref<32768xf32, #tpu.memory_space<hbm>>
      %dma_start3A_144 = tpu.memref_slice %arg3[%mul3A_142] : memref<4194304xf32, #tpu.memory_space<hbm>> -> memref<32768xf32, #tpu.memory_space<hbm>>
      tpu.enqueue_dma source(%arg9 : memref<32768xf32, #tpu.memory_space<vmem>>) target(%dma_start3A_144 : memref<32768xf32, #tpu.memory_space<hbm>>) target_semaphore(%arg18 : memref<!tpu.dma_semaphore, #tpu.memory_space<semaphore_mem>>)
      %mul3A_145 = arith.constant 64 : i32
      %mul3A_146 = arith.muli %add3A_119, %mul3A_145 : i32
      %add3A_147 = arith.addi %mul3A_2, %mul3A_146 : i32
      %mul3A_148 = arith.constant 8 : i32
      %mul3A_149 = arith.muli %add3A_147, %mul3A_148 : i32
      %dma_start3A_150 = tpu.memref_slice %arg4[%mul3A_149] : memref<65536xf32, #tpu.memory_space<hbm>> -> memref<512xf32, #tpu.memory_space<hbm>>
      %dma_start3A_151 = tpu.memref_slice %arg4[%mul3A_149] : memref<65536xf32, #tpu.memory_space<hbm>> -> memref<512xf32, #tpu.memory_space<hbm>>
      tpu.enqueue_dma source(%arg11 : memref<512xf32, #tpu.memory_space<vmem>>) target(%dma_start3A_151 : memref<512xf32, #tpu.memory_space<hbm>>) target_semaphore(%arg20 : memref<!tpu.dma_semaphore, #tpu.memory_space<semaphore_mem>>)
      %lt3A_152 = arith.constant 1 : i32
      %lt3A_153 = arith.cmpi slt, %scan3A_77, %lt3A_152 : i32
      %convert_element_type3A_154 = arith.extui %lt3A_153 : i1 to i32
      %cond3A_155 = arith.constant 0 : i32
      %cond3A_156 = arith.cmpi ne, %convert_element_type3A_154, %cond3A_155 : i32
      scf.if %cond3A_156 {
        %add3A_157 = arith.constant 2 : i32
        %add3A_158 = arith.addi %add3A_119, %add3A_157 : i32
        %mul3A_159 = arith.constant 64 : i32
        %mul3A_160 = arith.muli %mul3A_2, %mul3A_159 : i32
        %mul3A_161 = arith.constant 4096 : i32
        %mul3A_162 = arith.muli %add3A_158, %mul3A_161 : i32
        %add3A_163 = arith.addi %mul3A_160, %mul3A_162 : i32
        %dma_start3A_164 = tpu.memref_slice %arg2[%add3A_163] : memref<524288xf32, #tpu.memory_space<hbm>> -> memref<4096xf32, #tpu.memory_space<hbm>>
        %dma_start3A_165 = tpu.memref_slice %arg2[%add3A_163] : memref<524288xf32, #tpu.memory_space<hbm>> -> memref<4096xf32, #tpu.memory_space<hbm>>
        tpu.enqueue_dma source(%dma_start3A_165 : memref<4096xf32, #tpu.memory_space<hbm>>) target(%arg7 : memref<4096xf32, #tpu.memory_space<vmem>>) target_semaphore(%arg16 : memref<!tpu.dma_semaphore, #tpu.memory_space<semaphore_mem>>)
      } else {
      }
    }
    %scan3A_51 = arith.constant 2 : i32
    %add3A_52 = arith.constant 128 : i32
    %add3A_53 = arith.addi %mul3A_2, %add3A_52 : i32
    %mul3A_54 = arith.constant 512 : i32
    %mul3A_55 = arith.muli %add3A_53, %mul3A_54 : i32
    %dma_wait3A = tpu.memref_slice %arg3[%mul3A_55] : memref<4194304xf32, #tpu.memory_space<hbm>> -> memref<32768xf32, #tpu.memory_space<hbm>>
    %dma_wait3A_56 = tpu.memref_slice %arg3[%mul3A_55] : memref<4194304xf32, #tpu.memory_space<hbm>> -> memref<32768xf32, #tpu.memory_space<hbm>>
    tpu.wait_dma2 semaphore(%arg17 : memref<!tpu.dma_semaphore, #tpu.memory_space<semaphore_mem>>) src(%arg8 : memref<32768xf32, #tpu.memory_space<vmem>>) dst(%dma_wait3A_56 : memref<32768xf32, #tpu.memory_space<hbm>>)
    %add3A_57 = arith.constant 128 : i32
    %add3A_58 = arith.addi %mul3A_2, %add3A_57 : i32
    %mul3A_59 = arith.constant 8 : i32
    %mul3A_60 = arith.muli %add3A_58, %mul3A_59 : i32
    %dma_wait3A_61 = tpu.memref_slice %arg4[%mul3A_60] : memref<65536xf32, #tpu.memory_space<hbm>> -> memref<512xf32, #tpu.memory_space<hbm>>
    %dma_wait3A_62 = tpu.memref_slice %arg4[%mul3A_60] : memref<65536xf32, #tpu.memory_space<hbm>> -> memref<512xf32, #tpu.memory_space<hbm>>
    tpu.wait_dma2 semaphore(%arg19 : memref<!tpu.dma_semaphore, #tpu.memory_space<semaphore_mem>>) src(%arg10 : memref<512xf32, #tpu.memory_space<vmem>>) dst(%dma_wait3A_62 : memref<512xf32, #tpu.memory_space<hbm>>)
    %add3A_63 = arith.constant 192 : i32
    %add3A_64 = arith.addi %mul3A_2, %add3A_63 : i32
    %mul3A_65 = arith.constant 512 : i32
    %mul3A_66 = arith.muli %add3A_64, %mul3A_65 : i32
    %dma_wait3A_67 = tpu.memref_slice %arg3[%mul3A_66] : memref<4194304xf32, #tpu.memory_space<hbm>> -> memref<32768xf32, #tpu.memory_space<hbm>>
    %dma_wait3A_68 = tpu.memref_slice %arg3[%mul3A_66] : memref<4194304xf32, #tpu.memory_space<hbm>> -> memref<32768xf32, #tpu.memory_space<hbm>>
    tpu.wait_dma2 semaphore(%arg18 : memref<!tpu.dma_semaphore, #tpu.memory_space<semaphore_mem>>) src(%arg9 : memref<32768xf32, #tpu.memory_space<vmem>>) dst(%dma_wait3A_68 : memref<32768xf32, #tpu.memory_space<hbm>>)
    %add3A_69 = arith.constant 192 : i32
    %add3A_70 = arith.addi %mul3A_2, %add3A_69 : i32
    %mul3A_71 = arith.constant 8 : i32
    %mul3A_72 = arith.muli %add3A_70, %mul3A_71 : i32
    %dma_wait3A_73 = tpu.memref_slice %arg4[%mul3A_72] : memref<65536xf32, #tpu.memory_space<hbm>> -> memref<512xf32, #tpu.memory_space<hbm>>
    %dma_wait3A_74 = tpu.memref_slice %arg4[%mul3A_72] : memref<65536xf32, #tpu.memory_space<hbm>> -> memref<512xf32, #tpu.memory_space<hbm>>
    tpu.wait_dma2 semaphore(%arg20 : memref<!tpu.dma_semaphore, #tpu.memory_space<semaphore_mem>>) src(%arg11 : memref<512xf32, #tpu.memory_space<vmem>>) dst(%dma_wait3A_74 : memref<512xf32, #tpu.memory_space<hbm>>)
    %mul3A_75 = arith.constant 64 : i32
    %mul3A_76 = arith.muli %add3A, %mul3A_75 : i32
    "tpu.region"() ({
      %run_scoped3A = tpu.sem_alloc : memref<!tpu.dma_semaphore, #tpu.memory_space<semaphore_mem>>
      %dma_start3A_77 = tpu.memref_slice %arg5[%mul3A_76] : memref<2048xf32, #tpu.memory_space<hbm>> -> memref<64xf32, #tpu.memory_space<hbm>>
      %dma_start3A_78 = tpu.memref_slice %arg5[%mul3A_76] : memref<2048xf32, #tpu.memory_space<hbm>> -> memref<64xf32, #tpu.memory_space<hbm>>
      tpu.enqueue_dma source(%arg14 : memref<64xf32, #tpu.memory_space<vmem>>) target(%dma_start3A_78 : memref<64xf32, #tpu.memory_space<hbm>>) target_semaphore(%run_scoped3A : memref<!tpu.dma_semaphore, #tpu.memory_space<semaphore_mem>>)
      %dma_wait3A_79 = tpu.memref_slice %arg5[%mul3A_76] : memref<2048xf32, #tpu.memory_space<hbm>> -> memref<64xf32, #tpu.memory_space<hbm>>
      %dma_wait3A_80 = tpu.memref_slice %arg5[%mul3A_76] : memref<2048xf32, #tpu.memory_space<hbm>> -> memref<64xf32, #tpu.memory_space<hbm>>
      tpu.wait_dma2 semaphore(%run_scoped3A : memref<!tpu.dma_semaphore, #tpu.memory_space<semaphore_mem>>) src(%arg14 : memref<64xf32, #tpu.memory_space<vmem>>) dst(%dma_wait3A_80 : memref<64xf32, #tpu.memory_space<hbm>>)
      tpu.yield
    }) : () -> ()
    return
  }
}

#map = affine_map<(d0, d1) -> (0)>
module attributes {stable_mosaic.version = 14 : i64} {
  func.func @_sc_router(%arg0: i32, %arg1: i32, %arg2: memref<524288xf32, #tpu.memory_space<hbm>>, %arg3: memref<4194304xf32, #tpu.memory_space<hbm>>, %arg4: memref<65536xf32, #tpu.memory_space<hbm>>, %arg5: memref<2048xf32, #tpu.memory_space<hbm>>, %arg6: memref<4096xf32, #tpu.memory_space<vmem>>, %arg7: memref<4096xf32, #tpu.memory_space<vmem>>, %arg8: memref<32768xf32, #tpu.memory_space<vmem>>, %arg9: memref<32768xf32, #tpu.memory_space<vmem>>, %arg10: memref<512xf32, #tpu.memory_space<vmem>>, %arg11: memref<512xf32, #tpu.memory_space<vmem>>, %arg12: memref<1024xi32, #tpu.memory_space<vmem>>, %arg13: memref<1024xi32, #tpu.memory_space<vmem>>, %arg14: memref<64xf32, #tpu.memory_space<vmem>>, %arg15: memref<!tpu.dma_semaphore, #tpu.memory_space<semaphore_mem>>, %arg16: memref<!tpu.dma_semaphore, #tpu.memory_space<semaphore_mem>>, %arg17: memref<!tpu.dma_semaphore, #tpu.memory_space<semaphore_mem>>, %arg18: memref<!tpu.dma_semaphore, #tpu.memory_space<semaphore_mem>>, %arg19: memref<!tpu.dma_semaphore, #tpu.memory_space<semaphore_mem>>, %arg20: memref<!tpu.dma_semaphore, #tpu.memory_space<semaphore_mem>>) attributes {dimension_semantics = [#tpu.dimension_semantics<core_parallel>, #tpu.dimension_semantics<subcore_parallel>], iteration_bounds = array<i64: 2, 16>, scalar_prefetch = 0 : i64, scratch_operands = 15 : i64, tpu.core_type = #tpu.core_type<sc_vector_subcore>, window_params = [{transform_indices = #map}, {transform_indices = #map}, {transform_indices = #map}, {transform_indices = #map}]} {
    %mul3A = arith.constant 2 : i32
    %mul3A_0 = arith.muli %arg1, %mul3A : i32
    %add3A = arith.addi %mul3A_0, %arg0 : i32
    %mul3A_1 = arith.constant 256 : i32
    %mul3A_2 = arith.muli %add3A, %mul3A_1 : i32
    %iota3A = tpu.iota {dimensions = array<i32: 0>} : vector<16xi32>
    %lt3A = arith.constant 8 : i32
    %lt3A_3 = vector.broadcast %lt3A : i32 to vector<16xi32>
    %lt3A_4 = arith.cmpi slt, %iota3A, %lt3A_3 : vector<16xi32>
    %broadcast_in_dim3A = arith.constant 0.000000e+00 : f32
    %broadcast_in_dim3A_5 = vector.broadcast %broadcast_in_dim3A : f32 to vector<16xf32>
    %broadcast_in_dim3A_6 = arith.constant 1.000000e+00 : f32
    %broadcast_in_dim3A_7 = vector.broadcast %broadcast_in_dim3A_6 : f32 to vector<16xf32>
    %add3A_8 = arith.constant 16 : i32
    %add3A_9 = vector.broadcast %add3A_8 : i32 to vector<16xi32>
    %add3A_10 = arith.addi %iota3A, %add3A_9 : vector<16xi32>
    %add3A_11 = arith.constant 32 : i32
    %add3A_12 = vector.broadcast %add3A_11 : i32 to vector<16xi32>
    %add3A_13 = arith.addi %iota3A, %add3A_12 : vector<16xi32>
    %add3A_14 = arith.constant 48 : i32
    %add3A_15 = vector.broadcast %add3A_14 : i32 to vector<16xi32>
    %add3A_16 = arith.addi %iota3A, %add3A_15 : vector<16xi32>
    %scan3A = arith.constant 0 : i32
    %scan3A_17 = arith.constant 0 : i32
    %scan3A_18 = arith.constant 256 : i32
    %scan3A_19 = arith.addi %scan3A_17, %scan3A_18 : i32
    %scan3A_20 = arith.constant 1 : i32
    scf.for %scan3A_77 = %scan3A_17 to %scan3A_19 step %scan3A_20  : i32 {
      %mul3A_78 = arith.constant 128 : i32
      %mul3A_79 = arith.muli %scan3A_77, %mul3A_78 : i32
      %add3A_80 = arith.constant 0 : i32
      %add3A_81 = arith.addi %mul3A_79, %add3A_80 : i32
      %swap3A_82 = arith.index_cast %add3A_81 : i32 to index
      %swap3A_83 = tpu.vector_load %arg8[%swap3A_82] {strides = array<i32>} : memref<32768xf32, #tpu.memory_space<vmem>>, vector<16xf32>,
      tpu.vector_store %arg8[%swap3A_82], %broadcast_in_dim3A_5 {strides = array<i32>} : memref<32768xf32, #tpu.memory_space<vmem>>, vector<16xf32>,
      %add3A_84 = arith.constant 16 : i32
      %add3A_85 = arith.addi %mul3A_79, %add3A_84 : i32
      %swap3A_86 = arith.index_cast %add3A_85 : i32 to index
      %swap3A_87 = tpu.vector_load %arg8[%swap3A_86] {strides = array<i32>} : memref<32768xf32, #tpu.memory_space<vmem>>, vector<16xf32>,
      tpu.vector_store %arg8[%swap3A_86], %broadcast_in_dim3A_5 {strides = array<i32>} : memref<32768xf32, #tpu.memory_space<vmem>>, vector<16xf32>,
      %add3A_88 = arith.constant 32 : i32
      %add3A_89 = arith.addi %mul3A_79, %add3A_88 : i32
      %swap3A_90 = arith.index_cast %add3A_89 : i32 to index
      %swap3A_91 = tpu.vector_load %arg8[%swap3A_90] {strides = array<i32>} : memref<32768xf32, #tpu.memory_space<vmem>>, vector<16xf32>,
      tpu.vector_store %arg8[%swap3A_90], %broadcast_in_dim3A_5 {strides = array<i32>} : memref<32768xf32, #tpu.memory_space<vmem>>, vector<16xf32>,
      %add3A_92 = arith.constant 48 : i32
      %add3A_93 = arith.addi %mul3A_79, %add3A_92 : i32
      %swap3A_94 = arith.index_cast %add3A_93 : i32 to index
      %swap3A_95 = tpu.vector_load %arg8[%swap3A_94] {strides = array<i32>} : memref<32768xf32, #tpu.memory_space<vmem>>, vector<16xf32>,
      tpu.vector_store %arg8[%swap3A_94], %broadcast_in_dim3A_5 {strides = array<i32>} : memref<32768xf32, #tpu.memory_space<vmem>>, vector<16xf32>,
      %add3A_96 = arith.constant 64 : i32
      %add3A_97 = arith.addi %mul3A_79, %add3A_96 : i32
      %swap3A_98 = arith.index_cast %add3A_97 : i32 to index
      %swap3A_99 = tpu.vector_load %arg8[%swap3A_98] {strides = array<i32>} : memref<32768xf32, #tpu.memory_space<vmem>>, vector<16xf32>,
      tpu.vector_store %arg8[%swap3A_98], %broadcast_in_dim3A_5 {strides = array<i32>} : memref<32768xf32, #tpu.memory_space<vmem>>, vector<16xf32>,
      %add3A_100 = arith.constant 80 : i32
      %add3A_101 = arith.addi %mul3A_79, %add3A_100 : i32
      %swap3A_102 = arith.index_cast %add3A_101 : i32 to index
      %swap3A_103 = tpu.vector_load %arg8[%swap3A_102] {strides = array<i32>} : memref<32768xf32, #tpu.memory_space<vmem>>, vector<16xf32>,
      tpu.vector_store %arg8[%swap3A_102], %broadcast_in_dim3A_5 {strides = array<i32>} : memref<32768xf32, #tpu.memory_space<vmem>>, vector<16xf32>,
      %add3A_104 = arith.constant 96 : i32
      %add3A_105 = arith.addi %mul3A_79, %add3A_104 : i32
      %swap3A_106 = arith.index_cast %add3A_105 : i32 to index
      %swap3A_107 = tpu.vector_load %arg8[%swap3A_106] {strides = array<i32>} : memref<32768xf32, #tpu.memory_space<vmem>>, vector<16xf32>,
      tpu.vector_store %arg8[%swap3A_106], %broadcast_in_dim3A_5 {strides = array<i32>} : memref<32768xf32, #tpu.memory_space<vmem>>, vector<16xf32>,
      %add3A_108 = arith.constant 112 : i32
      %add3A_109 = arith.addi %mul3A_79, %add3A_108 : i32
      %swap3A_110 = arith.index_cast %add3A_109 : i32 to index
      %swap3A_111 = tpu.vector_load %arg8[%swap3A_110] {strides = array<i32>} : memref<32768xf32, #tpu.memory_space<vmem>>, vector<16xf32>,
      tpu.vector_store %arg8[%swap3A_110], %broadcast_in_dim3A_5 {strides = array<i32>} : memref<32768xf32, #tpu.memory_space<vmem>>, vector<16xf32>,
    }
    %scan3A_21 = arith.constant 256 : i32
    %scan3A_22 = arith.constant 0 : i32
    %scan3A_23 = arith.constant 0 : i32
    %scan3A_24 = arith.constant 256 : i32
    %scan3A_25 = arith.addi %scan3A_23, %scan3A_24 : i32
    %scan3A_26 = arith.constant 1 : i32
    scf.for %scan3A_77 = %scan3A_23 to %scan3A_25 step %scan3A_26  : i32 {
      %mul3A_78 = arith.constant 128 : i32
      %mul3A_79 = arith.muli %scan3A_77, %mul3A_78 : i32
      %add3A_80 = arith.constant 0 : i32
      %add3A_81 = arith.addi %mul3A_79, %add3A_80 : i32
      %swap3A_82 = arith.index_cast %add3A_81 : i32 to index
      %swap3A_83 = tpu.vector_load %arg9[%swap3A_82] {strides = array<i32>} : memref<32768xf32, #tpu.memory_space<vmem>>, vector<16xf32>,
      tpu.vector_store %arg9[%swap3A_82], %broadcast_in_dim3A_5 {strides = array<i32>} : memref<32768xf32, #tpu.memory_space<vmem>>, vector<16xf32>,
      %add3A_84 = arith.constant 16 : i32
      %add3A_85 = arith.addi %mul3A_79, %add3A_84 : i32
      %swap3A_86 = arith.index_cast %add3A_85 : i32 to index
      %swap3A_87 = tpu.vector_load %arg9[%swap3A_86] {strides = array<i32>} : memref<32768xf32, #tpu.memory_space<vmem>>, vector<16xf32>,
      tpu.vector_store %arg9[%swap3A_86], %broadcast_in_dim3A_5 {strides = array<i32>} : memref<32768xf32, #tpu.memory_space<vmem>>, vector<16xf32>,
      %add3A_88 = arith.constant 32 : i32
      %add3A_89 = arith.addi %mul3A_79, %add3A_88 : i32
      %swap3A_90 = arith.index_cast %add3A_89 : i32 to index
      %swap3A_91 = tpu.vector_load %arg9[%swap3A_90] {strides = array<i32>} : memref<32768xf32, #tpu.memory_space<vmem>>, vector<16xf32>,
      tpu.vector_store %arg9[%swap3A_90], %broadcast_in_dim3A_5 {strides = array<i32>} : memref<32768xf32, #tpu.memory_space<vmem>>, vector<16xf32>,
      %add3A_92 = arith.constant 48 : i32
      %add3A_93 = arith.addi %mul3A_79, %add3A_92 : i32
      %swap3A_94 = arith.index_cast %add3A_93 : i32 to index
      %swap3A_95 = tpu.vector_load %arg9[%swap3A_94] {strides = array<i32>} : memref<32768xf32, #tpu.memory_space<vmem>>, vector<16xf32>,
      tpu.vector_store %arg9[%swap3A_94], %broadcast_in_dim3A_5 {strides = array<i32>} : memref<32768xf32, #tpu.memory_space<vmem>>, vector<16xf32>,
      %add3A_96 = arith.constant 64 : i32
      %add3A_97 = arith.addi %mul3A_79, %add3A_96 : i32
      %swap3A_98 = arith.index_cast %add3A_97 : i32 to index
      %swap3A_99 = tpu.vector_load %arg9[%swap3A_98] {strides = array<i32>} : memref<32768xf32, #tpu.memory_space<vmem>>, vector<16xf32>,
      tpu.vector_store %arg9[%swap3A_98], %broadcast_in_dim3A_5 {strides = array<i32>} : memref<32768xf32, #tpu.memory_space<vmem>>, vector<16xf32>,
      %add3A_100 = arith.constant 80 : i32
      %add3A_101 = arith.addi %mul3A_79, %add3A_100 : i32
      %swap3A_102 = arith.index_cast %add3A_101 : i32 to index
      %swap3A_103 = tpu.vector_load %arg9[%swap3A_102] {strides = array<i32>} : memref<32768xf32, #tpu.memory_space<vmem>>, vector<16xf32>,
      tpu.vector_store %arg9[%swap3A_102], %broadcast_in_dim3A_5 {strides = array<i32>} : memref<32768xf32, #tpu.memory_space<vmem>>, vector<16xf32>,
      %add3A_104 = arith.constant 96 : i32
      %add3A_105 = arith.addi %mul3A_79, %add3A_104 : i32
      %swap3A_106 = arith.index_cast %add3A_105 : i32 to index
      %swap3A_107 = tpu.vector_load %arg9[%swap3A_106] {strides = array<i32>} : memref<32768xf32, #tpu.memory_space<vmem>>, vector<16xf32>,
      tpu.vector_store %arg9[%swap3A_106], %broadcast_in_dim3A_5 {strides = array<i32>} : memref<32768xf32, #tpu.memory_space<vmem>>, vector<16xf32>,
      %add3A_108 = arith.constant 112 : i32
      %add3A_109 = arith.addi %mul3A_79, %add3A_108 : i32
      %swap3A_110 = arith.index_cast %add3A_109 : i32 to index
      %swap3A_111 = tpu.vector_load %arg9[%swap3A_110] {strides = array<i32>} : memref<32768xf32, #tpu.memory_space<vmem>>, vector<16xf32>,
      tpu.vector_store %arg9[%swap3A_110], %broadcast_in_dim3A_5 {strides = array<i32>} : memref<32768xf32, #tpu.memory_space<vmem>>, vector<16xf32>,
    }
    %scan3A_27 = arith.constant 256 : i32
    %swap3A = arith.constant 0 : index
    %swap3A_28 = tpu.vector_load %arg14[%swap3A] {strides = array<i32>} : memref<64xf32, #tpu.memory_space<vmem>>, vector<16xf32>,
    tpu.vector_store %arg14[%swap3A], %broadcast_in_dim3A_5 {strides = array<i32>} : memref<64xf32, #tpu.memory_space<vmem>>, vector<16xf32>,
    %swap3A_29 = arith.constant 16 : index
    %swap3A_30 = tpu.vector_load %arg14[%swap3A_29] {strides = array<i32>} : memref<64xf32, #tpu.memory_space<vmem>>, vector<16xf32>,
    tpu.vector_store %arg14[%swap3A_29], %broadcast_in_dim3A_5 {strides = array<i32>} : memref<64xf32, #tpu.memory_space<vmem>>, vector<16xf32>,
    %swap3A_31 = arith.constant 32 : index
    %swap3A_32 = tpu.vector_load %arg14[%swap3A_31] {strides = array<i32>} : memref<64xf32, #tpu.memory_space<vmem>>, vector<16xf32>,
    tpu.vector_store %arg14[%swap3A_31], %broadcast_in_dim3A_5 {strides = array<i32>} : memref<64xf32, #tpu.memory_space<vmem>>, vector<16xf32>,
    %swap3A_33 = arith.constant 48 : index
    %swap3A_34 = tpu.vector_load %arg14[%swap3A_33] {strides = array<i32>} : memref<64xf32, #tpu.memory_space<vmem>>, vector<16xf32>,
    tpu.vector_store %arg14[%swap3A_33], %broadcast_in_dim3A_5 {strides = array<i32>} : memref<64xf32, #tpu.memory_space<vmem>>, vector<16xf32>,
    %mul3A_35 = arith.constant 64 : i32
    %mul3A_36 = arith.muli %mul3A_2, %mul3A_35 : i32
    %add3A_37 = arith.constant 0 : i32
    %add3A_38 = arith.addi %mul3A_36, %add3A_37 : i32
    %dma_start3A = tpu.memref_slice %arg2[%add3A_38] : memref<524288xf32, #tpu.memory_space<hbm>> -> memref<4096xf32, #tpu.memory_space<hbm>>
    %dma_start3A_39 = tpu.memref_slice %arg2[%add3A_38] : memref<524288xf32, #tpu.memory_space<hbm>> -> memref<4096xf32, #tpu.memory_space<hbm>>
    tpu.enqueue_dma source(%dma_start3A_39 : memref<4096xf32, #tpu.memory_space<hbm>>) target(%arg6 : memref<4096xf32, #tpu.memory_space<vmem>>) target_semaphore(%arg15 : memref<!tpu.dma_semaphore, #tpu.memory_space<semaphore_mem>>)
    %mul3A_40 = arith.constant 64 : i32
    %mul3A_41 = arith.muli %mul3A_2, %mul3A_40 : i32
    %add3A_42 = arith.constant 4096 : i32
    %add3A_43 = arith.addi %mul3A_41, %add3A_42 : i32
    %dma_start3A_44 = tpu.memref_slice %arg2[%add3A_43] : memref<524288xf32, #tpu.memory_space<hbm>> -> memref<4096xf32, #tpu.memory_space<hbm>>
    %dma_start3A_45 = tpu.memref_slice %arg2[%add3A_43] : memref<524288xf32, #tpu.memory_space<hbm>> -> memref<4096xf32, #tpu.memory_space<hbm>>
    tpu.enqueue_dma source(%dma_start3A_45 : memref<4096xf32, #tpu.memory_space<hbm>>) target(%arg7 : memref<4096xf32, #tpu.memory_space<vmem>>) target_semaphore(%arg16 : memref<!tpu.dma_semaphore, #tpu.memory_space<semaphore_mem>>)
    %scan3A_46 = arith.constant 0 : i32
    %scan3A_47 = arith.constant 0 : i32
    %scan3A_48 = arith.constant 2 : i32
    %scan3A_49 = arith.addi %scan3A_47, %scan3A_48 : i32
    %scan3A_50 = arith.constant 1 : i32
    scf.for %scan3A_77 = %scan3A_47 to %scan3A_49 step %scan3A_50  : i32 {
      %mul3A_78 = arith.constant 2 : i32
      %mul3A_79 = arith.muli %scan3A_77, %mul3A_78 : i32
      %add3A_80 = arith.constant 0 : i32
      %add3A_81 = arith.addi %mul3A_79, %add3A_80 : i32
      %gt3A = arith.constant 0 : i32
      %gt3A_82 = arith.cmpi sgt, %scan3A_77, %gt3A : i32
      %convert_element_type3A = arith.extui %gt3A_82 : i1 to i32
      %cond3A = arith.constant 0 : i32
      %cond3A_83 = arith.cmpi ne, %convert_element_type3A, %cond3A : i32
      scf.if %cond3A_83 {
        %sub3A = arith.constant 2 : i32
        %sub3A_157 = arith.subi %add3A_81, %sub3A : i32
        %mul3A_158 = arith.constant 64 : i32
        %mul3A_159 = arith.muli %sub3A_157, %mul3A_158 : i32
        %add3A_160 = arith.addi %mul3A_2, %mul3A_159 : i32
        %mul3A_161 = arith.constant 512 : i32
        %mul3A_162 = arith.muli %add3A_160, %mul3A_161 : i32
        %dma_wait3A_163 = tpu.memref_slice %arg3[%mul3A_162] : memref<4194304xf32, #tpu.memory_space<hbm>> -> memref<32768xf32, #tpu.memory_space<hbm>>
        %dma_wait3A_164 = tpu.memref_slice %arg3[%mul3A_162] : memref<4194304xf32, #tpu.memory_space<hbm>> -> memref<32768xf32, #tpu.memory_space<hbm>>
        tpu.wait_dma2 semaphore(%arg17 : memref<!tpu.dma_semaphore, #tpu.memory_space<semaphore_mem>>) src(%arg8 : memref<32768xf32, #tpu.memory_space<vmem>>) dst(%dma_wait3A_164 : memref<32768xf32, #tpu.memory_space<hbm>>)
        %mul3A_165 = arith.constant 64 : i32
        %mul3A_166 = arith.muli %sub3A_157, %mul3A_165 : i32
        %add3A_167 = arith.addi %mul3A_2, %mul3A_166 : i32
        %mul3A_168 = arith.constant 8 : i32
        %mul3A_169 = arith.muli %add3A_167, %mul3A_168 : i32
        %dma_wait3A_170 = tpu.memref_slice %arg4[%mul3A_169] : memref<65536xf32, #tpu.memory_space<hbm>> -> memref<512xf32, #tpu.memory_space<hbm>>
        %dma_wait3A_171 = tpu.memref_slice %arg4[%mul3A_169] : memref<65536xf32, #tpu.memory_space<hbm>> -> memref<512xf32, #tpu.memory_space<hbm>>
        tpu.wait_dma2 semaphore(%arg19 : memref<!tpu.dma_semaphore, #tpu.memory_space<semaphore_mem>>) src(%arg10 : memref<512xf32, #tpu.memory_space<vmem>>) dst(%dma_wait3A_171 : memref<512xf32, #tpu.memory_space<hbm>>)
        %scan3A_172 = arith.constant 0 : i32
        %scan3A_173 = arith.constant 0 : i32
        %scan3A_174 = arith.constant 64 : i32
        %scan3A_175 = arith.addi %scan3A_173, %scan3A_174 : i32
        %scan3A_176 = arith.constant 1 : i32
        scf.for %scan3A_178 = %scan3A_173 to %scan3A_175 step %scan3A_176  : i32 {
          %mul3A_179 = arith.constant 16 : i32
          %mul3A_180 = arith.muli %scan3A_178, %mul3A_179 : i32
          %get3A = arith.index_cast %mul3A_180 : i32 to index
          %get3A_181 = tpu.vector_load %arg12[%get3A] {strides = array<i32>} : memref<1024xi32, #tpu.memory_space<vmem>>, vector<16xi32>,
          tpu.vector_store_idx %arg8[%get3A_181], %broadcast_in_dim3A_5 masked %lt3A_4 : memref<32768xf32, #tpu.memory_space<vmem>>[vector<16xi32>], vector<16xf32>, vector<16xi1>
        }
        %scan3A_177 = arith.constant 64 : i32
      } else {
      }
      %mul3A_84 = arith.constant 64 : i32
      %mul3A_85 = arith.muli %mul3A_2, %mul3A_84 : i32
      %mul3A_86 = arith.constant 4096 : i32
      %mul3A_87 = arith.muli %add3A_81, %mul3A_86 : i32
      %add3A_88 = arith.addi %mul3A_85, %mul3A_87 : i32
      %dma_wait3A_89 = tpu.memref_slice %arg2[%add3A_88] : memref<524288xf32, #tpu.memory_space<hbm>> -> memref<4096xf32, #tpu.memory_space<hbm>>
      %dma_wait3A_90 = tpu.memref_slice %arg2[%add3A_88] : memref<524288xf32, #tpu.memory_space<hbm>> -> memref<4096xf32, #tpu.memory_space<hbm>>
      tpu.wait_dma2 semaphore(%arg15 : memref<!tpu.dma_semaphore, #tpu.memory_space<semaphore_mem>>) src(%dma_wait3A_90 : memref<4096xf32, #tpu.memory_space<hbm>>) dst(%arg6 : memref<4096xf32, #tpu.memory_space<vmem>>)
      %scan3A_91 = arith.constant 0 : i32
      %scan3A_92 = arith.constant 0 : i32
      %scan3A_93 = arith.constant 64 : i32
      %scan3A_94 = arith.addi %scan3A_92, %scan3A_93 : i32
      %scan3A_95 = arith.constant 1 : i32
      scf.for %scan3A_157 = %scan3A_92 to %scan3A_94 step %scan3A_95  : i32 {
        %mul3A_158 = arith.constant 64 : i32
        %mul3A_159 = arith.muli %scan3A_157, %mul3A_158 : i32
        %add3A_160 = arith.constant 0 : i32
        %add3A_161 = arith.addi %mul3A_159, %add3A_160 : i32
        %get3A = arith.index_cast %add3A_161 : i32 to index
        %get3A_162 = tpu.vector_load %arg6[%get3A] {strides = array<i32>} : memref<4096xf32, #tpu.memory_space<vmem>>, vector<16xf32>,
        %masked_sort3A = arith.constant dense<true> : vector<16xi1>
        %masked_sort3A_163, %masked_sort3A_164, %masked_sort3A_165 = tpu.sort %get3A_162, %iota3A masked %masked_sort3A {descending = true} : (vector<16xf32>, vector<16xi32>, vector<16xi1>) -> (vector<16xi1>, vector<16xf32>, vector<16xi32>)
        %add3A_166 = arith.constant 16 : i32
        %add3A_167 = arith.addi %mul3A_159, %add3A_166 : i32
        %get3A_168 = arith.index_cast %add3A_167 : i32 to index
        %get3A_169 = tpu.vector_load %arg6[%get3A_168] {strides = array<i32>} : memref<4096xf32, #tpu.memory_space<vmem>>, vector<16xf32>,
        %masked_sort3A_170 = arith.constant dense<true> : vector<16xi1>
        %masked_sort3A_171, %masked_sort3A_172, %masked_sort3A_173 = tpu.sort %get3A_169, %add3A_10 masked %masked_sort3A_170 {descending = true} : (vector<16xf32>, vector<16xi32>, vector<16xi1>) -> (vector<16xi1>, vector<16xf32>, vector<16xi32>)
        %add3A_174 = arith.constant 32 : i32
        %add3A_175 = arith.addi %mul3A_159, %add3A_174 : i32
        %get3A_176 = arith.index_cast %add3A_175 : i32 to index
        %get3A_177 = tpu.vector_load %arg6[%get3A_176] {strides = array<i32>} : memref<4096xf32, #tpu.memory_space<vmem>>, vector<16xf32>,
        %masked_sort3A_178 = arith.constant dense<true> : vector<16xi1>
        %masked_sort3A_179, %masked_sort3A_180, %masked_sort3A_181 = tpu.sort %get3A_177, %add3A_13 masked %masked_sort3A_178 {descending = true} : (vector<16xf32>, vector<16xi32>, vector<16xi1>) -> (vector<16xi1>, vector<16xf32>, vector<16xi32>)
        %add3A_182 = arith.constant 48 : i32
        %add3A_183 = arith.addi %mul3A_159, %add3A_182 : i32
        %get3A_184 = arith.index_cast %add3A_183 : i32 to index
        %get3A_185 = tpu.vector_load %arg6[%get3A_184] {strides = array<i32>} : memref<4096xf32, #tpu.memory_space<vmem>>, vector<16xf32>,
        %masked_sort3A_186 = arith.constant dense<true> : vector<16xi1>
        %masked_sort3A_187, %masked_sort3A_188, %masked_sort3A_189 = tpu.sort %get3A_185, %add3A_16 masked %masked_sort3A_186 {descending = true} : (vector<16xf32>, vector<16xi32>, vector<16xi1>) -> (vector<16xi1>, vector<16xf32>, vector<16xi32>)
        %rev3A = arith.constant 15 : i32
        %rev3A_190 = vector.broadcast %rev3A : i32 to vector<16xi32>
        %rev3A_191 = tpu.iota {dimensions = array<i32: 0>} : vector<16xi32>
        %rev3A_192 = arith.subi %rev3A_190, %rev3A_191 : vector<16xi32>
        %rev3A_193 = tpu.dynamic_gather %masked_sort3A_172[%rev3A_192] in [0] : vector<16xf32>, vector<16xi32> -> vector<16xf32>
        %select_n3A = arith.select %lt3A_4, %masked_sort3A_164, %rev3A_193 : vector<16xi1>, vector<16xf32>
        %rev3A_194 = arith.constant 15 : i32
        %rev3A_195 = vector.broadcast %rev3A_194 : i32 to vector<16xi32>
        %rev3A_196 = tpu.iota {dimensions = array<i32: 0>} : vector<16xi32>
        %rev3A_197 = arith.subi %rev3A_195, %rev3A_196 : vector<16xi32>
        %rev3A_198 = tpu.dynamic_gather %masked_sort3A_173[%rev3A_197] in [0] : vector<16xi32>, vector<16xi32> -> vector<16xi32>
        %select_n3A_199 = arith.select %lt3A_4, %masked_sort3A_165, %rev3A_198 : vector<16xi1>, vector<16xi32>
        %masked_sort3A_200 = arith.constant dense<true> : vector<16xi1>
        %masked_sort3A_201, %masked_sort3A_202, %masked_sort3A_203 = tpu.sort %select_n3A, %select_n3A_199 masked %masked_sort3A_200 {descending = true} : (vector<16xf32>, vector<16xi32>, vector<16xi1>) -> (vector<16xi1>, vector<16xf32>, vector<16xi32>)
        %rev3A_204 = arith.constant 15 : i32
        %rev3A_205 = vector.broadcast %rev3A_204 : i32 to vector<16xi32>
        %rev3A_206 = tpu.iota {dimensions = array<i32: 0>} : vector<16xi32>
        %rev3A_207 = arith.subi %rev3A_205, %rev3A_206 : vector<16xi32>
        %rev3A_208 = tpu.dynamic_gather %masked_sort3A_188[%rev3A_207] in [0] : vector<16xf32>, vector<16xi32> -> vector<16xf32>
        %select_n3A_209 = arith.select %lt3A_4, %masked_sort3A_180, %rev3A_208 : vector<16xi1>, vector<16xf32>
        %rev3A_210 = arith.constant 15 : i32
        %rev3A_211 = vector.broadcast %rev3A_210 : i32 to vector<16xi32>
        %rev3A_212 = tpu.iota {dimensions = array<i32: 0>} : vector<16xi32>
        %rev3A_213 = arith.subi %rev3A_211, %rev3A_212 : vector<16xi32>
        %rev3A_214 = tpu.dynamic_gather %masked_sort3A_189[%rev3A_213] in [0] : vector<16xi32>, vector<16xi32> -> vector<16xi32>
        %select_n3A_215 = arith.select %lt3A_4, %masked_sort3A_181, %rev3A_214 : vector<16xi1>, vector<16xi32>
        %masked_sort3A_216 = arith.constant dense<true> : vector<16xi1>
        %masked_sort3A_217, %masked_sort3A_218, %masked_sort3A_219 = tpu.sort %select_n3A_209, %select_n3A_215 masked %masked_sort3A_216 {descending = true} : (vector<16xf32>, vector<16xi32>, vector<16xi1>) -> (vector<16xi1>, vector<16xf32>, vector<16xi32>)
        %rev3A_220 = arith.constant 15 : i32
        %rev3A_221 = vector.broadcast %rev3A_220 : i32 to vector<16xi32>
        %rev3A_222 = tpu.iota {dimensions = array<i32: 0>} : vector<16xi32>
        %rev3A_223 = arith.subi %rev3A_221, %rev3A_222 : vector<16xi32>
        %rev3A_224 = tpu.dynamic_gather %masked_sort3A_218[%rev3A_223] in [0] : vector<16xf32>, vector<16xi32> -> vector<16xf32>
        %select_n3A_225 = arith.select %lt3A_4, %masked_sort3A_202, %rev3A_224 : vector<16xi1>, vector<16xf32>
        %rev3A_226 = arith.constant 15 : i32
        %rev3A_227 = vector.broadcast %rev3A_226 : i32 to vector<16xi32>
        %rev3A_228 = tpu.iota {dimensions = array<i32: 0>} : vector<16xi32>
        %rev3A_229 = arith.subi %rev3A_227, %rev3A_228 : vector<16xi32>
        %rev3A_230 = tpu.dynamic_gather %masked_sort3A_219[%rev3A_229] in [0] : vector<16xi32>, vector<16xi32> -> vector<16xi32>
        %select_n3A_231 = arith.select %lt3A_4, %masked_sort3A_203, %rev3A_230 : vector<16xi1>, vector<16xi32>
        %masked_sort3A_232 = arith.constant dense<true> : vector<16xi1>
        %masked_sort3A_233, %masked_sort3A_234, %masked_sort3A_235 = tpu.sort %select_n3A_225, %select_n3A_231 masked %masked_sort3A_232 {descending = true} : (vector<16xf32>, vector<16xi32>, vector<16xi1>) -> (vector<16xi1>, vector<16xf32>, vector<16xi32>)
        %reduce_max3A = arith.constant true
        %reduce_max3A_236 = vector.broadcast %reduce_max3A : i1 to vector<16xi1>
        %reduce_max3A_237 = tpu.scan <max>, %masked_sort3A_234 masked %reduce_max3A_236 : vector<16xf32>, vector<16xi1> -> vector<16xf32>
        %reduce_max3A_238 = vector.extract %reduce_max3A_237[15] : f32 from vector<16xf32>
        %sub3A = vector.broadcast %reduce_max3A_238 : f32 to vector<16xf32>
        %sub3A_239 = arith.subf %masked_sort3A_234, %sub3A : vector<16xf32>
        %exp3A = math.exp %sub3A_239 : vector<16xf32>
        %jit3A = arith.constant 0.000000e+00 : f32
        %broadcast_in_dim3A_240 = vector.broadcast %jit3A : f32 to vector<16xf32>
        %select_n3A_241 = arith.select %lt3A_4, %exp3A, %broadcast_in_dim3A_240 : vector<16xi1>, vector<16xf32>
        %reduce_sum3A = arith.constant true
        %reduce_sum3A_242 = vector.broadcast %reduce_sum3A : i1 to vector<16xi1>
        %reduce_sum3A_243 = tpu.scan <sum>, %select_n3A_241 masked %reduce_sum3A_242 : vector<16xf32>, vector<16xi1> -> vector<16xf32>
        %reduce_sum3A_244 = vector.extract %reduce_sum3A_243[15] : f32 from vector<16xf32>
        %div3A = vector.broadcast %reduce_sum3A_244 : f32 to vector<16xf32>
        %div3A_245 = arith.divf %select_n3A_241, %div3A : vector<16xf32>
        %mul3A_246 = arith.constant 512 : i32
        %mul3A_247 = arith.muli %scan3A_157, %mul3A_246 : i32
        %and3A = arith.constant 7 : i32
        %and3A_248 = vector.broadcast %and3A : i32 to vector<16xi32>
        %and3A_249 = arith.andi %iota3A, %and3A_248 : vector<16xi32>
        %mul3A_250 = arith.constant 64 : i32
        %mul3A_251 = vector.broadcast %mul3A_250 : i32 to vector<16xi32>
        %mul3A_252 = arith.muli %and3A_249, %mul3A_251 : vector<16xi32>
        %add3A_253 = vector.broadcast %mul3A_247 : i32 to vector<16xi32>
        %add3A_254 = arith.addi %add3A_253, %mul3A_252 : vector<16xi32>
        %add3A_255 = arith.addi %add3A_254, %masked_sort3A_235 : vector<16xi32>
        tpu.vector_store_idx %arg8[%add3A_255], %broadcast_in_dim3A_7 masked %lt3A_4 : memref<32768xf32, #tpu.memory_space<vmem>>[vector<16xi32>], vector<16xf32>, vector<16xi1>
        %mul3A_256 = arith.constant 16 : i32
        %mul3A_257 = arith.muli %scan3A_157, %mul3A_256 : i32
        %swap3A_258 = arith.index_cast %mul3A_257 : i32 to index
        %swap3A_259 = tpu.vector_load %arg12[%swap3A_258] {strides = array<i32>} : memref<1024xi32, #tpu.memory_space<vmem>>, vector<16xi32>,
        tpu.vector_store %arg12[%swap3A_258], %add3A_255 {strides = array<i32>} : memref<1024xi32, #tpu.memory_space<vmem>>, vector<16xi32>,
        %mul3A_260 = arith.constant 8 : i32
        %mul3A_261 = arith.muli %scan3A_157, %mul3A_260 : i32
        %add3A_262 = vector.broadcast %mul3A_261 : i32 to vector<16xi32>
        %add3A_263 = arith.addi %add3A_262, %iota3A : vector<16xi32>
        tpu.vector_store_idx %arg10[%add3A_263], %div3A_245 masked %lt3A_4 : memref<512xf32, #tpu.memory_space<vmem>>[vector<16xi32>], vector<16xf32>, vector<16xi1>
        tpu.vector_store_idx %arg14[%masked_sort3A_235], %div3A_245 masked %lt3A_4 {add = true} : memref<64xf32, #tpu.memory_space<vmem>>[vector<16xi32>], vector<16xf32>, vector<16xi1>
      }
      %scan3A_96 = arith.constant 64 : i32
      %mul3A_97 = arith.constant 64 : i32
      %mul3A_98 = arith.muli %add3A_81, %mul3A_97 : i32
      %add3A_99 = arith.addi %mul3A_2, %mul3A_98 : i32
      %mul3A_100 = arith.constant 512 : i32
      %mul3A_101 = arith.muli %add3A_99, %mul3A_100 : i32
      %dma_start3A_102 = tpu.memref_slice %arg3[%mul3A_101] : memref<4194304xf32, #tpu.memory_space<hbm>> -> memref<32768xf32, #tpu.memory_space<hbm>>
      %dma_start3A_103 = tpu.memref_slice %arg3[%mul3A_101] : memref<4194304xf32, #tpu.memory_space<hbm>> -> memref<32768xf32, #tpu.memory_space<hbm>>
      tpu.enqueue_dma source(%arg8 : memref<32768xf32, #tpu.memory_space<vmem>>) target(%dma_start3A_103 : memref<32768xf32, #tpu.memory_space<hbm>>) target_semaphore(%arg17 : memref<!tpu.dma_semaphore, #tpu.memory_space<semaphore_mem>>)
      %mul3A_104 = arith.constant 64 : i32
      %mul3A_105 = arith.muli %add3A_81, %mul3A_104 : i32
      %add3A_106 = arith.addi %mul3A_2, %mul3A_105 : i32
      %mul3A_107 = arith.constant 8 : i32
      %mul3A_108 = arith.muli %add3A_106, %mul3A_107 : i32
      %dma_start3A_109 = tpu.memref_slice %arg4[%mul3A_108] : memref<65536xf32, #tpu.memory_space<hbm>> -> memref<512xf32, #tpu.memory_space<hbm>>
      %dma_start3A_110 = tpu.memref_slice %arg4[%mul3A_108] : memref<65536xf32, #tpu.memory_space<hbm>> -> memref<512xf32, #tpu.memory_space<hbm>>
      tpu.enqueue_dma source(%arg10 : memref<512xf32, #tpu.memory_space<vmem>>) target(%dma_start3A_110 : memref<512xf32, #tpu.memory_space<hbm>>) target_semaphore(%arg19 : memref<!tpu.dma_semaphore, #tpu.memory_space<semaphore_mem>>)
      %lt3A_111 = arith.constant 1 : i32
      %lt3A_112 = arith.cmpi slt, %scan3A_77, %lt3A_111 : i32
      %convert_element_type3A_113 = arith.extui %lt3A_112 : i1 to i32
      %cond3A_114 = arith.constant 0 : i32
      %cond3A_115 = arith.cmpi ne, %convert_element_type3A_113, %cond3A_114 : i32
      scf.if %cond3A_115 {
        %add3A_157 = arith.constant 2 : i32
        %add3A_158 = arith.addi %add3A_81, %add3A_157 : i32
        %mul3A_159 = arith.constant 64 : i32
        %mul3A_160 = arith.muli %mul3A_2, %mul3A_159 : i32
        %mul3A_161 = arith.constant 4096 : i32
        %mul3A_162 = arith.muli %add3A_158, %mul3A_161 : i32
        %add3A_163 = arith.addi %mul3A_160, %mul3A_162 : i32
        %dma_start3A_164 = tpu.memref_slice %arg2[%add3A_163] : memref<524288xf32, #tpu.memory_space<hbm>> -> memref<4096xf32, #tpu.memory_space<hbm>>
        %dma_start3A_165 = tpu.memref_slice %arg2[%add3A_163] : memref<524288xf32, #tpu.memory_space<hbm>> -> memref<4096xf32, #tpu.memory_space<hbm>>
        tpu.enqueue_dma source(%dma_start3A_165 : memref<4096xf32, #tpu.memory_space<hbm>>) target(%arg6 : memref<4096xf32, #tpu.memory_space<vmem>>) target_semaphore(%arg15 : memref<!tpu.dma_semaphore, #tpu.memory_space<semaphore_mem>>)
      } else {
      }
      %mul3A_116 = arith.constant 2 : i32
      %mul3A_117 = arith.muli %scan3A_77, %mul3A_116 : i32
      %add3A_118 = arith.constant 1 : i32
      %add3A_119 = arith.addi %mul3A_117, %add3A_118 : i32
      %gt3A_120 = arith.constant 0 : i32
      %gt3A_121 = arith.cmpi sgt, %scan3A_77, %gt3A_120 : i32
      %convert_element_type3A_122 = arith.extui %gt3A_121 : i1 to i32
      %cond3A_123 = arith.constant 0 : i32
      %cond3A_124 = arith.cmpi ne, %convert_element_type3A_122, %cond3A_123 : i32
      scf.if %cond3A_124 {
        %sub3A = arith.constant 2 : i32
        %sub3A_157 = arith.subi %add3A_119, %sub3A : i32
        %mul3A_158 = arith.constant 64 : i32
        %mul3A_159 = arith.muli %sub3A_157, %mul3A_158 : i32
        %add3A_160 = arith.addi %mul3A_2, %mul3A_159 : i32
        %mul3A_161 = arith.constant 512 : i32
        %mul3A_162 = arith.muli %add3A_160, %mul3A_161 : i32
        %dma_wait3A_163 = tpu.memref_slice %arg3[%mul3A_162] : memref<4194304xf32, #tpu.memory_space<hbm>> -> memref<32768xf32, #tpu.memory_space<hbm>>
        %dma_wait3A_164 = tpu.memref_slice %arg3[%mul3A_162] : memref<4194304xf32, #tpu.memory_space<hbm>> -> memref<32768xf32, #tpu.memory_space<hbm>>
        tpu.wait_dma2 semaphore(%arg18 : memref<!tpu.dma_semaphore, #tpu.memory_space<semaphore_mem>>) src(%arg9 : memref<32768xf32, #tpu.memory_space<vmem>>) dst(%dma_wait3A_164 : memref<32768xf32, #tpu.memory_space<hbm>>)
        %mul3A_165 = arith.constant 64 : i32
        %mul3A_166 = arith.muli %sub3A_157, %mul3A_165 : i32
        %add3A_167 = arith.addi %mul3A_2, %mul3A_166 : i32
        %mul3A_168 = arith.constant 8 : i32
        %mul3A_169 = arith.muli %add3A_167, %mul3A_168 : i32
        %dma_wait3A_170 = tpu.memref_slice %arg4[%mul3A_169] : memref<65536xf32, #tpu.memory_space<hbm>> -> memref<512xf32, #tpu.memory_space<hbm>>
        %dma_wait3A_171 = tpu.memref_slice %arg4[%mul3A_169] : memref<65536xf32, #tpu.memory_space<hbm>> -> memref<512xf32, #tpu.memory_space<hbm>>
        tpu.wait_dma2 semaphore(%arg20 : memref<!tpu.dma_semaphore, #tpu.memory_space<semaphore_mem>>) src(%arg11 : memref<512xf32, #tpu.memory_space<vmem>>) dst(%dma_wait3A_171 : memref<512xf32, #tpu.memory_space<hbm>>)
        %scan3A_172 = arith.constant 0 : i32
        %scan3A_173 = arith.constant 0 : i32
        %scan3A_174 = arith.constant 64 : i32
        %scan3A_175 = arith.addi %scan3A_173, %scan3A_174 : i32
        %scan3A_176 = arith.constant 1 : i32
        scf.for %scan3A_178 = %scan3A_173 to %scan3A_175 step %scan3A_176  : i32 {
          %mul3A_179 = arith.constant 16 : i32
          %mul3A_180 = arith.muli %scan3A_178, %mul3A_179 : i32
          %get3A = arith.index_cast %mul3A_180 : i32 to index
          %get3A_181 = tpu.vector_load %arg13[%get3A] {strides = array<i32>} : memref<1024xi32, #tpu.memory_space<vmem>>, vector<16xi32>,
          tpu.vector_store_idx %arg9[%get3A_181], %broadcast_in_dim3A_5 masked %lt3A_4 : memref<32768xf32, #tpu.memory_space<vmem>>[vector<16xi32>], vector<16xf32>, vector<16xi1>
        }
        %scan3A_177 = arith.constant 64 : i32
      } else {
      }
      %mul3A_125 = arith.constant 64 : i32
      %mul3A_126 = arith.muli %mul3A_2, %mul3A_125 : i32
      %mul3A_127 = arith.constant 4096 : i32
      %mul3A_128 = arith.muli %add3A_119, %mul3A_127 : i32
      %add3A_129 = arith.addi %mul3A_126, %mul3A_128 : i32
      %dma_wait3A_130 = tpu.memref_slice %arg2[%add3A_129] : memref<524288xf32, #tpu.memory_space<hbm>> -> memref<4096xf32, #tpu.memory_space<hbm>>
      %dma_wait3A_131 = tpu.memref_slice %arg2[%add3A_129] : memref<524288xf32, #tpu.memory_space<hbm>> -> memref<4096xf32, #tpu.memory_space<hbm>>
      tpu.wait_dma2 semaphore(%arg16 : memref<!tpu.dma_semaphore, #tpu.memory_space<semaphore_mem>>) src(%dma_wait3A_131 : memref<4096xf32, #tpu.memory_space<hbm>>) dst(%arg7 : memref<4096xf32, #tpu.memory_space<vmem>>)
      %scan3A_132 = arith.constant 0 : i32
      %scan3A_133 = arith.constant 0 : i32
      %scan3A_134 = arith.constant 64 : i32
      %scan3A_135 = arith.addi %scan3A_133, %scan3A_134 : i32
      %scan3A_136 = arith.constant 1 : i32
      scf.for %scan3A_157 = %scan3A_133 to %scan3A_135 step %scan3A_136  : i32 {
        %mul3A_158 = arith.constant 64 : i32
        %mul3A_159 = arith.muli %scan3A_157, %mul3A_158 : i32
        %add3A_160 = arith.constant 0 : i32
        %add3A_161 = arith.addi %mul3A_159, %add3A_160 : i32
        %get3A = arith.index_cast %add3A_161 : i32 to index
        %get3A_162 = tpu.vector_load %arg7[%get3A] {strides = array<i32>} : memref<4096xf32, #tpu.memory_space<vmem>>, vector<16xf32>,
        %masked_sort3A = arith.constant dense<true> : vector<16xi1>
        %masked_sort3A_163, %masked_sort3A_164, %masked_sort3A_165 = tpu.sort %get3A_162, %iota3A masked %masked_sort3A {descending = true} : (vector<16xf32>, vector<16xi32>, vector<16xi1>) -> (vector<16xi1>, vector<16xf32>, vector<16xi32>)
        %add3A_166 = arith.constant 16 : i32
        %add3A_167 = arith.addi %mul3A_159, %add3A_166 : i32
        %get3A_168 = arith.index_cast %add3A_167 : i32 to index
        %get3A_169 = tpu.vector_load %arg7[%get3A_168] {strides = array<i32>} : memref<4096xf32, #tpu.memory_space<vmem>>, vector<16xf32>,
        %masked_sort3A_170 = arith.constant dense<true> : vector<16xi1>
        %masked_sort3A_171, %masked_sort3A_172, %masked_sort3A_173 = tpu.sort %get3A_169, %add3A_10 masked %masked_sort3A_170 {descending = true} : (vector<16xf32>, vector<16xi32>, vector<16xi1>) -> (vector<16xi1>, vector<16xf32>, vector<16xi32>)
        %add3A_174 = arith.constant 32 : i32
        %add3A_175 = arith.addi %mul3A_159, %add3A_174 : i32
        %get3A_176 = arith.index_cast %add3A_175 : i32 to index
        %get3A_177 = tpu.vector_load %arg7[%get3A_176] {strides = array<i32>} : memref<4096xf32, #tpu.memory_space<vmem>>, vector<16xf32>,
        %masked_sort3A_178 = arith.constant dense<true> : vector<16xi1>
        %masked_sort3A_179, %masked_sort3A_180, %masked_sort3A_181 = tpu.sort %get3A_177, %add3A_13 masked %masked_sort3A_178 {descending = true} : (vector<16xf32>, vector<16xi32>, vector<16xi1>) -> (vector<16xi1>, vector<16xf32>, vector<16xi32>)
        %add3A_182 = arith.constant 48 : i32
        %add3A_183 = arith.addi %mul3A_159, %add3A_182 : i32
        %get3A_184 = arith.index_cast %add3A_183 : i32 to index
        %get3A_185 = tpu.vector_load %arg7[%get3A_184] {strides = array<i32>} : memref<4096xf32, #tpu.memory_space<vmem>>, vector<16xf32>,
        %masked_sort3A_186 = arith.constant dense<true> : vector<16xi1>
        %masked_sort3A_187, %masked_sort3A_188, %masked_sort3A_189 = tpu.sort %get3A_185, %add3A_16 masked %masked_sort3A_186 {descending = true} : (vector<16xf32>, vector<16xi32>, vector<16xi1>) -> (vector<16xi1>, vector<16xf32>, vector<16xi32>)
        %rev3A = arith.constant 15 : i32
        %rev3A_190 = vector.broadcast %rev3A : i32 to vector<16xi32>
        %rev3A_191 = tpu.iota {dimensions = array<i32: 0>} : vector<16xi32>
        %rev3A_192 = arith.subi %rev3A_190, %rev3A_191 : vector<16xi32>
        %rev3A_193 = tpu.dynamic_gather %masked_sort3A_172[%rev3A_192] in [0] : vector<16xf32>, vector<16xi32> -> vector<16xf32>
        %select_n3A = arith.select %lt3A_4, %masked_sort3A_164, %rev3A_193 : vector<16xi1>, vector<16xf32>
        %rev3A_194 = arith.constant 15 : i32
        %rev3A_195 = vector.broadcast %rev3A_194 : i32 to vector<16xi32>
        %rev3A_196 = tpu.iota {dimensions = array<i32: 0>} : vector<16xi32>
        %rev3A_197 = arith.subi %rev3A_195, %rev3A_196 : vector<16xi32>
        %rev3A_198 = tpu.dynamic_gather %masked_sort3A_173[%rev3A_197] in [0] : vector<16xi32>, vector<16xi32> -> vector<16xi32>
        %select_n3A_199 = arith.select %lt3A_4, %masked_sort3A_165, %rev3A_198 : vector<16xi1>, vector<16xi32>
        %masked_sort3A_200 = arith.constant dense<true> : vector<16xi1>
        %masked_sort3A_201, %masked_sort3A_202, %masked_sort3A_203 = tpu.sort %select_n3A, %select_n3A_199 masked %masked_sort3A_200 {descending = true} : (vector<16xf32>, vector<16xi32>, vector<16xi1>) -> (vector<16xi1>, vector<16xf32>, vector<16xi32>)
        %rev3A_204 = arith.constant 15 : i32
        %rev3A_205 = vector.broadcast %rev3A_204 : i32 to vector<16xi32>
        %rev3A_206 = tpu.iota {dimensions = array<i32: 0>} : vector<16xi32>
        %rev3A_207 = arith.subi %rev3A_205, %rev3A_206 : vector<16xi32>
        %rev3A_208 = tpu.dynamic_gather %masked_sort3A_188[%rev3A_207] in [0] : vector<16xf32>, vector<16xi32> -> vector<16xf32>
        %select_n3A_209 = arith.select %lt3A_4, %masked_sort3A_180, %rev3A_208 : vector<16xi1>, vector<16xf32>
        %rev3A_210 = arith.constant 15 : i32
        %rev3A_211 = vector.broadcast %rev3A_210 : i32 to vector<16xi32>
        %rev3A_212 = tpu.iota {dimensions = array<i32: 0>} : vector<16xi32>
        %rev3A_213 = arith.subi %rev3A_211, %rev3A_212 : vector<16xi32>
        %rev3A_214 = tpu.dynamic_gather %masked_sort3A_189[%rev3A_213] in [0] : vector<16xi32>, vector<16xi32> -> vector<16xi32>
        %select_n3A_215 = arith.select %lt3A_4, %masked_sort3A_181, %rev3A_214 : vector<16xi1>, vector<16xi32>
        %masked_sort3A_216 = arith.constant dense<true> : vector<16xi1>
        %masked_sort3A_217, %masked_sort3A_218, %masked_sort3A_219 = tpu.sort %select_n3A_209, %select_n3A_215 masked %masked_sort3A_216 {descending = true} : (vector<16xf32>, vector<16xi32>, vector<16xi1>) -> (vector<16xi1>, vector<16xf32>, vector<16xi32>)
        %rev3A_220 = arith.constant 15 : i32
        %rev3A_221 = vector.broadcast %rev3A_220 : i32 to vector<16xi32>
        %rev3A_222 = tpu.iota {dimensions = array<i32: 0>} : vector<16xi32>
        %rev3A_223 = arith.subi %rev3A_221, %rev3A_222 : vector<16xi32>
        %rev3A_224 = tpu.dynamic_gather %masked_sort3A_218[%rev3A_223] in [0] : vector<16xf32>, vector<16xi32> -> vector<16xf32>
        %select_n3A_225 = arith.select %lt3A_4, %masked_sort3A_202, %rev3A_224 : vector<16xi1>, vector<16xf32>
        %rev3A_226 = arith.constant 15 : i32
        %rev3A_227 = vector.broadcast %rev3A_226 : i32 to vector<16xi32>
        %rev3A_228 = tpu.iota {dimensions = array<i32: 0>} : vector<16xi32>
        %rev3A_229 = arith.subi %rev3A_227, %rev3A_228 : vector<16xi32>
        %rev3A_230 = tpu.dynamic_gather %masked_sort3A_219[%rev3A_229] in [0] : vector<16xi32>, vector<16xi32> -> vector<16xi32>
        %select_n3A_231 = arith.select %lt3A_4, %masked_sort3A_203, %rev3A_230 : vector<16xi1>, vector<16xi32>
        %masked_sort3A_232 = arith.constant dense<true> : vector<16xi1>
        %masked_sort3A_233, %masked_sort3A_234, %masked_sort3A_235 = tpu.sort %select_n3A_225, %select_n3A_231 masked %masked_sort3A_232 {descending = true} : (vector<16xf32>, vector<16xi32>, vector<16xi1>) -> (vector<16xi1>, vector<16xf32>, vector<16xi32>)
        %reduce_max3A = arith.constant true
        %reduce_max3A_236 = vector.broadcast %reduce_max3A : i1 to vector<16xi1>
        %reduce_max3A_237 = tpu.scan <max>, %masked_sort3A_234 masked %reduce_max3A_236 : vector<16xf32>, vector<16xi1> -> vector<16xf32>
        %reduce_max3A_238 = vector.extract %reduce_max3A_237[15] : f32 from vector<16xf32>
        %sub3A = vector.broadcast %reduce_max3A_238 : f32 to vector<16xf32>
        %sub3A_239 = arith.subf %masked_sort3A_234, %sub3A : vector<16xf32>
        %exp3A = math.exp %sub3A_239 : vector<16xf32>
        %jit3A = arith.constant 0.000000e+00 : f32
        %broadcast_in_dim3A_240 = vector.broadcast %jit3A : f32 to vector<16xf32>
        %select_n3A_241 = arith.select %lt3A_4, %exp3A, %broadcast_in_dim3A_240 : vector<16xi1>, vector<16xf32>
        %reduce_sum3A = arith.constant true
        %reduce_sum3A_242 = vector.broadcast %reduce_sum3A : i1 to vector<16xi1>
        %reduce_sum3A_243 = tpu.scan <sum>, %select_n3A_241 masked %reduce_sum3A_242 : vector<16xf32>, vector<16xi1> -> vector<16xf32>
        %reduce_sum3A_244 = vector.extract %reduce_sum3A_243[15] : f32 from vector<16xf32>
        %div3A = vector.broadcast %reduce_sum3A_244 : f32 to vector<16xf32>
        %div3A_245 = arith.divf %select_n3A_241, %div3A : vector<16xf32>
        %mul3A_246 = arith.constant 512 : i32
        %mul3A_247 = arith.muli %scan3A_157, %mul3A_246 : i32
        %and3A = arith.constant 7 : i32
        %and3A_248 = vector.broadcast %and3A : i32 to vector<16xi32>
        %and3A_249 = arith.andi %iota3A, %and3A_248 : vector<16xi32>
        %mul3A_250 = arith.constant 64 : i32
        %mul3A_251 = vector.broadcast %mul3A_250 : i32 to vector<16xi32>
        %mul3A_252 = arith.muli %and3A_249, %mul3A_251 : vector<16xi32>
        %add3A_253 = vector.broadcast %mul3A_247 : i32 to vector<16xi32>
        %add3A_254 = arith.addi %add3A_253, %mul3A_252 : vector<16xi32>
        %add3A_255 = arith.addi %add3A_254, %masked_sort3A_235 : vector<16xi32>
        tpu.vector_store_idx %arg9[%add3A_255], %broadcast_in_dim3A_7 masked %lt3A_4 : memref<32768xf32, #tpu.memory_space<vmem>>[vector<16xi32>], vector<16xf32>, vector<16xi1>
        %mul3A_256 = arith.constant 16 : i32
        %mul3A_257 = arith.muli %scan3A_157, %mul3A_256 : i32
        %swap3A_258 = arith.index_cast %mul3A_257 : i32 to index
        %swap3A_259 = tpu.vector_load %arg13[%swap3A_258] {strides = array<i32>} : memref<1024xi32, #tpu.memory_space<vmem>>, vector<16xi32>,
        tpu.vector_store %arg13[%swap3A_258], %add3A_255 {strides = array<i32>} : memref<1024xi32, #tpu.memory_space<vmem>>, vector<16xi32>,
        %mul3A_260 = arith.constant 8 : i32
        %mul3A_261 = arith.muli %scan3A_157, %mul3A_260 : i32
        %add3A_262 = vector.broadcast %mul3A_261 : i32 to vector<16xi32>
        %add3A_263 = arith.addi %add3A_262, %iota3A : vector<16xi32>
        tpu.vector_store_idx %arg11[%add3A_263], %div3A_245 masked %lt3A_4 : memref<512xf32, #tpu.memory_space<vmem>>[vector<16xi32>], vector<16xf32>, vector<16xi1>
        tpu.vector_store_idx %arg14[%masked_sort3A_235], %div3A_245 masked %lt3A_4 {add = true} : memref<64xf32, #tpu.memory_space<vmem>>[vector<16xi32>], vector<16xf32>, vector<16xi1>
      }
      %scan3A_137 = arith.constant 64 : i32
      %mul3A_138 = arith.constant 64 : i32
      %mul3A_139 = arith.muli %add3A_119, %mul3A_138 : i32
      %add3A_140 = arith.addi %mul3A_2, %mul3A_139 : i32
      %mul3A_141 = arith.constant 512 : i32
      %mul3A_142 = arith.muli %add3A_140, %mul3A_141 : i32
      %dma_start3A_143 = tpu.memref_slice %arg3[%mul3A_142] : memref<4194304xf32, #tpu.memory_space<hbm>> -> memref<32768xf32, #tpu.memory_space<hbm>>
      %dma_start3A_144 = tpu.memref_slice %arg3[%mul3A_142] : memref<4194304xf32, #tpu.memory_space<hbm>> -> memref<32768xf32, #tpu.memory_space<hbm>>
      tpu.enqueue_dma source(%arg9 : memref<32768xf32, #tpu.memory_space<vmem>>) target(%dma_start3A_144 : memref<32768xf32, #tpu.memory_space<hbm>>) target_semaphore(%arg18 : memref<!tpu.dma_semaphore, #tpu.memory_space<semaphore_mem>>)
      %mul3A_145 = arith.constant 64 : i32
      %mul3A_146 = arith.muli %add3A_119, %mul3A_145 : i32
      %add3A_147 = arith.addi %mul3A_2, %mul3A_146 : i32
      %mul3A_148 = arith.constant 8 : i32
      %mul3A_149 = arith.muli %add3A_147, %mul3A_148 : i32
      %dma_start3A_150 = tpu.memref_slice %arg4[%mul3A_149] : memref<65536xf32, #tpu.memory_space<hbm>> -> memref<512xf32, #tpu.memory_space<hbm>>
      %dma_start3A_151 = tpu.memref_slice %arg4[%mul3A_149] : memref<65536xf32, #tpu.memory_space<hbm>> -> memref<512xf32, #tpu.memory_space<hbm>>
      tpu.enqueue_dma source(%arg11 : memref<512xf32, #tpu.memory_space<vmem>>) target(%dma_start3A_151 : memref<512xf32, #tpu.memory_space<hbm>>) target_semaphore(%arg20 : memref<!tpu.dma_semaphore, #tpu.memory_space<semaphore_mem>>)
      %lt3A_152 = arith.constant 1 : i32
      %lt3A_153 = arith.cmpi slt, %scan3A_77, %lt3A_152 : i32
      %convert_element_type3A_154 = arith.extui %lt3A_153 : i1 to i32
      %cond3A_155 = arith.constant 0 : i32
      %cond3A_156 = arith.cmpi ne, %convert_element_type3A_154, %cond3A_155 : i32
      scf.if %cond3A_156 {
        %add3A_157 = arith.constant 2 : i32
        %add3A_158 = arith.addi %add3A_119, %add3A_157 : i32
        %mul3A_159 = arith.constant 64 : i32
        %mul3A_160 = arith.muli %mul3A_2, %mul3A_159 : i32
        %mul3A_161 = arith.constant 4096 : i32
        %mul3A_162 = arith.muli %add3A_158, %mul3A_161 : i32
        %add3A_163 = arith.addi %mul3A_160, %mul3A_162 : i32
        %dma_start3A_164 = tpu.memref_slice %arg2[%add3A_163] : memref<524288xf32, #tpu.memory_space<hbm>> -> memref<4096xf32, #tpu.memory_space<hbm>>
        %dma_start3A_165 = tpu.memref_slice %arg2[%add3A_163] : memref<524288xf32, #tpu.memory_space<hbm>> -> memref<4096xf32, #tpu.memory_space<hbm>>
        tpu.enqueue_dma source(%dma_start3A_165 : memref<4096xf32, #tpu.memory_space<hbm>>) target(%arg7 : memref<4096xf32, #tpu.memory_space<vmem>>) target_semaphore(%arg16 : memref<!tpu.dma_semaphore, #tpu.memory_space<semaphore_mem>>)
      } else {
      }
    }
    %scan3A_51 = arith.constant 2 : i32
    %add3A_52 = arith.constant 128 : i32
    %add3A_53 = arith.addi %mul3A_2, %add3A_52 : i32
    %mul3A_54 = arith.constant 512 : i32
    %mul3A_55 = arith.muli %add3A_53, %mul3A_54 : i32
    %dma_wait3A = tpu.memref_slice %arg3[%mul3A_55] : memref<4194304xf32, #tpu.memory_space<hbm>> -> memref<32768xf32, #tpu.memory_space<hbm>>
    %dma_wait3A_56 = tpu.memref_slice %arg3[%mul3A_55] : memref<4194304xf32, #tpu.memory_space<hbm>> -> memref<32768xf32, #tpu.memory_space<hbm>>
    tpu.wait_dma2 semaphore(%arg17 : memref<!tpu.dma_semaphore, #tpu.memory_space<semaphore_mem>>) src(%arg8 : memref<32768xf32, #tpu.memory_space<vmem>>) dst(%dma_wait3A_56 : memref<32768xf32, #tpu.memory_space<hbm>>)
    %add3A_57 = arith.constant 128 : i32
    %add3A_58 = arith.addi %mul3A_2, %add3A_57 : i32
    %mul3A_59 = arith.constant 8 : i32
    %mul3A_60 = arith.muli %add3A_58, %mul3A_59 : i32
    %dma_wait3A_61 = tpu.memref_slice %arg4[%mul3A_60] : memref<65536xf32, #tpu.memory_space<hbm>> -> memref<512xf32, #tpu.memory_space<hbm>>
    %dma_wait3A_62 = tpu.memref_slice %arg4[%mul3A_60] : memref<65536xf32, #tpu.memory_space<hbm>> -> memref<512xf32, #tpu.memory_space<hbm>>
    tpu.wait_dma2 semaphore(%arg19 : memref<!tpu.dma_semaphore, #tpu.memory_space<semaphore_mem>>) src(%arg10 : memref<512xf32, #tpu.memory_space<vmem>>) dst(%dma_wait3A_62 : memref<512xf32, #tpu.memory_space<hbm>>)
    %add3A_63 = arith.constant 192 : i32
    %add3A_64 = arith.addi %mul3A_2, %add3A_63 : i32
    %mul3A_65 = arith.constant 512 : i32
    %mul3A_66 = arith.muli %add3A_64, %mul3A_65 : i32
    %dma_wait3A_67 = tpu.memref_slice %arg3[%mul3A_66] : memref<4194304xf32, #tpu.memory_space<hbm>> -> memref<32768xf32, #tpu.memory_space<hbm>>
    %dma_wait3A_68 = tpu.memref_slice %arg3[%mul3A_66] : memref<4194304xf32, #tpu.memory_space<hbm>> -> memref<32768xf32, #tpu.memory_space<hbm>>
    tpu.wait_dma2 semaphore(%arg18 : memref<!tpu.dma_semaphore, #tpu.memory_space<semaphore_mem>>) src(%arg9 : memref<32768xf32, #tpu.memory_space<vmem>>) dst(%dma_wait3A_68 : memref<32768xf32, #tpu.memory_space<hbm>>)
    %add3A_69 = arith.constant 192 : i32
    %add3A_70 = arith.addi %mul3A_2, %add3A_69 : i32
    %mul3A_71 = arith.constant 8 : i32
    %mul3A_72 = arith.muli %add3A_70, %mul3A_71 : i32
    %dma_wait3A_73 = tpu.memref_slice %arg4[%mul3A_72] : memref<65536xf32, #tpu.memory_space<hbm>> -> memref<512xf32, #tpu.memory_space<hbm>>
    %dma_wait3A_74 = tpu.memref_slice %arg4[%mul3A_72] : memref<65536xf32, #tpu.memory_space<hbm>> -> memref<512xf32, #tpu.memory_space<hbm>>
    tpu.wait_dma2 semaphore(%arg20 : memref<!tpu.dma_semaphore, #tpu.memory_space<semaphore_mem>>) src(%arg11 : memref<512xf32, #tpu.memory_space<vmem>>) dst(%dma_wait3A_74 : memref<512xf32, #tpu.memory_space<hbm>>)
    %mul3A_75 = arith.constant 64 : i32
    %mul3A_76 = arith.muli %add3A, %mul3A_75 : i32
    "tpu.region"() ({
      %run_scoped3A = tpu.sem_alloc : memref<!tpu.dma_semaphore, #tpu.memory_space<semaphore_mem>>
      %dma_start3A_77 = tpu.memref_slice %arg5[%mul3A_76] : memref<2048xf32, #tpu.memory_space<hbm>> -> memref<64xf32, #tpu.memory_space<hbm>>
      %dma_start3A_78 = tpu.memref_slice %arg5[%mul3A_76] : memref<2048xf32, #tpu.memory_space<hbm>> -> memref<64xf32, #tpu.memory_space<hbm>>
      tpu.enqueue_dma source(%arg14 : memref<64xf32, #tpu.memory_space<vmem>>) target(%dma_start3A_78 : memref<64xf32, #tpu.memory_space<hbm>>) target_semaphore(%run_scoped3A : memref<!tpu.dma_semaphore, #tpu.memory_space<semaphore_mem>>)
      %dma_wait3A_79 = tpu.memref_slice %arg5[%mul3A_76] : memref<2048xf32, #tpu.memory_space<hbm>> -> memref<64xf32, #tpu.memory_space<hbm>>
      %dma_wait3A_80 = tpu.memref_slice %arg5[%mul3A_76] : memref<2048xf32, #tpu.memory_space<hbm>> -> memref<64xf32, #tpu.memory_space<hbm>>
      tpu.wait_dma2 semaphore(%run_scoped3A : memref<!tpu.dma_semaphore, #tpu.memory_space<semaphore_mem>>) src(%arg14 : memref<64xf32, #tpu.memory_space<vmem>>) dst(%dma_wait3A_80 : memref<64xf32, #tpu.memory_space<hbm>>)
      tpu.yield
    }) : () -> ()
    return
  }
}

module attributes {stable_mosaic.version = 14 : i64} {
  func.func @_mm_body(%arg0: i32, %arg1: memref<512x4096xf32, #tpu.memory_space<vmem>>, %arg2: memref<64x4096xf32, #tpu.memory_space<vmem>>, %arg3: memref<512x64xf32, #tpu.memory_space<vmem>>) attributes {dimension_semantics = [#tpu.dimension_semantics<arbitrary>], iteration_bounds = array<i64: 16>, scalar_prefetch = 0 : i64, scratch_operands = 0 : i64, tpu.core_type = #tpu.core_type<tc>, window_params = [{transform_indices = @transform_0, window_bounds = array<i64: 512, 4096>}, {pipeline_mode = #tpu.pipeline_mode<synchronous>, transform_indices = @transform_1, window_bounds = array<i64: 64, 4096>}, {transform_indices = @transform_2, window_bounds = array<i64: 512, 64>}]} {
    %get3A = arith.constant 0 : index
    %get3A_0 = arith.constant 0 : index
    %get3A_1 = vector.load %arg1[%get3A, %get3A_0] : memref<512x4096xf32, #tpu.memory_space<vmem>>, vector<512x4096xf32>
    %get3A_2 = arith.constant 0 : index
    %get3A_3 = arith.constant 0 : index
    %get3A_4 = vector.load %arg2[%get3A_2, %get3A_3] : memref<64x4096xf32, #tpu.memory_space<vmem>>, vector<64x4096xf32>
    %dot_general3A = arith.constant dense<0.000000e+00> : vector<512x64xf32>
    %dot_general3A_5 = tpu.matmul %get3A_1, %get3A_4, %dot_general3A {dimension_numbers = #tpu.dot_dimension_numbers<[1], [1], [0], [0], [0, 0, 1, 0], [], []>, transpose_lhs_hint = false} : vector<512x4096xf32>, vector<64x4096xf32>, vector<512x64xf32> -> vector<512x64xf32>
    %swap3A = arith.constant 0 : index
    %swap3A_6 = arith.constant 0 : index
    %swap3A_7 = vector.load %arg3[%swap3A, %swap3A_6] : memref<512x64xf32, #tpu.memory_space<vmem>>, vector<512x64xf32>
    tpu.vector_store %arg3[%swap3A, %swap3A_6], %dot_general3A_5 {strides = array<i32>} : memref<512x64xf32, #tpu.memory_space<vmem>>, vector<512x64xf32>,
    return
  }
  func.func @transform_0(%arg0: i32) -> (i32, i32) {
    %c0_i32 = arith.constant 0 : i32
    %c0_i32_0 = arith.constant 0 : i32
    return %arg0, %c0_i32 : i32, i32
  }
  func.func @transform_1(%arg0: i32) -> (i32, i32) {
    %c0_i32 = arith.constant 0 : i32
    %c0_i32_0 = arith.constant 0 : i32
    %c0_i32_1 = arith.constant 0 : i32
    return %c0_i32, %c0_i32_0 : i32, i32
  }
  func.func @transform_2(%arg0: i32) -> (i32, i32) {
    %c0_i32 = arith.constant 0 : i32
    %c0_i32_0 = arith.constant 0 : i32
    return %arg0, %c0_i32 : i32, i32
  }
}

module attributes {stable_mosaic.version = 14 : i64} {
  func.func @_aux_body(%arg0: memref<64x64xf32, #tpu.memory_space<vmem>>, %arg1: memref<1x1xf32, #tpu.memory_space<smem>>) attributes {dimension_semantics = [], scalar_prefetch = 0 : i64, scratch_operands = 0 : i64, tpu.core_type = #tpu.core_type<tc>} {
    %get3A = arith.constant 0 : index
    %get3A_0 = arith.constant 0 : index
    %get3A_1 = vector.load %arg0[%get3A, %get3A_0] : memref<64x64xf32, #tpu.memory_space<vmem>>, vector<64x64xf32>
    %reduce_sum3A = arith.constant dense<0.000000e+00> : vector<64xf32>
    %reduce_sum3A_2 = vector.multi_reduction <add>, %get3A_1, %reduce_sum3A [0] : vector<64x64xf32> to vector<64xf32>
    %mul3A = arith.mulf %reduce_sum3A_2, %reduce_sum3A_2 : vector<64xf32>
    %reduce_sum3A_3 = vector.shape_cast %mul3A : vector<64xf32> to vector<1x64xf32>
    %reduce_sum3A_4 = arith.constant dense<0.000000e+00> : vector<1xf32>
    %reduce_sum3A_5 = vector.multi_reduction <add>, %reduce_sum3A_3, %reduce_sum3A_4 [1] : vector<1x64xf32> to vector<1xf32>
    %reduce_sum3A_6 = vector.shape_cast %reduce_sum3A_5 : vector<1xf32> to vector<1x1xf32>
    %reduce_sum3A_7 = vector.extract %reduce_sum3A_6[0, 0] : f32 from vector<1x1xf32>
    %mul3A_8 = arith.constant 6.10351549E-7 : f32
    %mul3A_9 = arith.mulf %reduce_sum3A_7, %mul3A_8 : f32
    %swap3A = arith.constant 0 : index
    %swap3A_10 = arith.constant 0 : index
    %swap3A_11 = memref.load %arg1[%swap3A, %swap3A_10] : memref<1x1xf32, #tpu.memory_space<smem>>
    memref.store %mul3A_9, %arg1[%swap3A, %swap3A_10] : memref<1x1xf32, #tpu.memory_space<smem>>
    return
  }
}

</mosaic_0001>

<sc_bundles>
// kernel: kernel.10.cloned.1.call-start
scs
__scs_entry_jumppad:
0x0: {  	(pc) =	sbr.rel $0x88, $3  }
0x1: {  	(tag) =	ssettag $0x0;
	lr =	simm.s32 $0x1  }
0x2: {  	[smem:$0x3F9F] =	sst lr;
	_ =	strace $0xD0000000  }
0x3: {  	_ = 	snop  }
0x4: {  	_ = 	snop  }
0x5: {  	_ = 	snop  }
0x6: {  	_ = 	snop  }
0x7: {  	_ = 	snop  }
__scs_overlays_trampoline_lowered:
0x8: {  	[smem:$0x3FAE] =	sst s0  }
0x9: {  	[smem:$0x3FAF] =	sst s1  }
0xa: {  	[smem:$0x3FB0] =	sst s2  }
0xb: {  	[smem:$0x3FB1] =	sst s3  }
0xc: {  	[smem:$0x3FB2] =	sst s4  }
0xd: {  	[smem:$0x3FB3] =	sst s5  }
0xe: {  	[smem:$0x3FB4] =	sst s6  }
0xf: {  	[smem:$0x3FB5] =	sst s7  }
0x10: {  	[smem:$0x3FB6] =	sst s8  }
0x11: {  	[smem:$0x3FB7] =	sst s9;
	s0 =	simm.s32 @!p0 $0x0  }
0x12: {  	s1 =	sld [smem:$0x3F9D];
	s0 =	simm.s32 @p0 $0x1  }
0x13: {  	[smem:$0x3FB8] =	sst s0;
	s0 =	simm.s32 @!p1 $0x0  }
0x14: {  	s2 =	sld [smem:$0x3F9C];
	s0 =	simm.s32 @p1 $0x1  }
0x15: {  	[smem:$0x3FB9] =	sst s0;
	s0 =	simm.s32 @!p2 $0x0  }
0x16: {  	s3 =	sld [smem:$0x3FDB];
	s0 =	simm.s32 @p2 $0x1  }
0x17: {  	s4 =	simm.s32 $0x1BF5;
	[smem:$0x3FBB] =	sst s0  }
0x18: {  	s0 =	sld [smem:$0x3F9E];
	_ =	swait.ge [sflag:s4], $0x0  }
0x19: {  	s7 =	sld [smem:$0x3F9F]  }
0x1a: {  	s8 =	sadd.s32 $0xFFFFE003, lr  }
0x1b: {  	s9 =	sadd.s32 $0xFFFFFEF7, lr;
	s5 =	simm.s32 $0xFFFFFFFF;
	p2 =	slt.u32 s8, $0xFFFFF086  }
0x1c: {  	p1 =	slt.u32 s9, $0xF7A;
	s5 =	simm.s32 @!p2 $0x0  }
0x1d: {  	s5 =	simm.s32 @p1 $0x1;
	p0 =	seq.s32 s7, s2  }
0x1e: {  	s7 =	smul.u32 @!p0 $0xF7A, s2;
	p2 =	seq.s32 @!p0 s5, $0x0  }
0x1f: {  	s9 =	smul.u32 $0xF7A, s1;
	s8 =	simm.s32 @!p0 $0x1BF5;
	p2 =	por !p2, p0  }
0x20: {  	[sflag:s8] =	ssyncset.s32 @!p0 $0xFFFFF086;
	s6 =	sadd.s32 @!p0 s3, s7;
	s7 =	simm.s32 @!p0 $0x108  }
0x21: {  	s3 =	sadd.s32 s3, s9;
	s6 =	sadd.s32 @!p0 $0x88, s6;
	s7 =	simm.s32 @p2 $0x1082  }
0x22: {  	[simem:s7], [sflag:s8] =	dma.local @!p0 [hbm:s6], $0xF7A  }
0x23: {  	s9 =	sor.u32 $0xD0000000, s2;
	s6 =	simm.s32 $0x108;
	_ =	swait.ge @!p0 [sflag:s8], $0x0  }
0x24: {  	s3 =	sadd.s32 $0x88, s3;
	s6 =	simm.s32 @!p1 $0x1082;
	[sflag:s4] =	ssyncset.s32 $0xFFFFF086  }
0x25: {  	[simem:s6], [sflag:s4] =	dma.local [hbm:s3], $0xF7A  }
0x26: {  	[smem:$0x3F9F] =	sst s1;
	(tag) =	ssettag s2;
	_ =	strace s9  }
0x27: {  	s1 =	sld [smem:$0x3FAF]  }
0x28: {  	s2 =	sld [smem:$0x3FB0]  }
0x29: {  	s4 =	sld [smem:$0x3FB2]  }
0x2a: {  	p0 =	seq.s32 s5, $0x0;
	s5 =	sld [smem:$0x3FB3]  }
0x2b: {  	s6 =	sld [smem:$0x3FB4]  }
0x2c: {  	s7 =	sld [smem:$0x3FB5]  }
0x2d: {  	s3 =	simm.s32 $0x108;
	s8 =	sld [smem:$0x3FB6]  }
0x2e: {  	s3 =	simm.s32 @!p0 $0x1082;
	s9 =	sld [smem:$0x3FB7]  }
0x2f: {  	lr =	sadd.s32 s0, s3;
	s0 =	sld [smem:$0x3FAE]  }
0x30: {  	s3 =	sld [smem:$0x3FB1]  }
0x31: {  	[smem:$0x3FBA] =	sst s10  }
0x32: {  	s10 =	sld [smem:$0x3FB8];
	_ =	sdelay $0x3  }
0x33: {  	p0 =	seq.s32 s10, $0x1;
	s10 =	sld [smem:$0x3FBA];
	_ =	sdelay $0x3  }
0x34: {  	[smem:$0x3FBA] =	sst s10  }
0x35: {  	s10 =	sld [smem:$0x3FB9];
	_ =	sdelay $0x3  }
0x36: {  	p1 =	seq.s32 s10, $0x1;
	s10 =	sld [smem:$0x3FBA];
	_ =	sdelay $0x3  }
0x37: {  	[smem:$0x3FBA] =	sst s10  }
0x38: {  	s10 =	sld [smem:$0x3FBB]  }
0x39: {  	_ = 	snop;
	(pc) =	sbr.ind lr, $3  }
0x3a: {  	_ = 	snop  }
0x3b: {  	_ = 	snop  }
0x3c: {  	p2 =	seq.s32 s10, $0x1;
	s10 =	sld [smem:$0x3FBA]  }
0x3d: {  	_ =	shalt  }
0x3e: {  	_ =	shalt  }
0x3f: {  	_ =	shalt  }
0x40: {  	_ =	shalt  }
0x41: {  	_ =	shalt  }
0x42: {  	_ =	shalt  }
0x43: {  	_ =	shalt  }
0x44: {  	_ =	shalt  }
0x45: {  	_ =	shalt  }
0x46: {  	_ =	shalt  }
0x47: {  	_ =	shalt  }
0x48: {  	_ =	shalt  }
0x49: {  	_ =	shalt  }
0x4a: {  	_ =	shalt  }
0x4b: {  	_ =	shalt  }
0x4c: {  	_ =	shalt  }
0x4d: {  	_ =	shalt  }
0x4e: {  	_ =	shalt  }
0x4f: {  	_ =	shalt  }
0x50: {  	_ =	shalt  }
0x51: {  	_ =	shalt  }
0x52: {  	_ =	shalt  }
0x53: {  	_ =	shalt  }
0x54: {  	_ =	shalt  }
0x55: {  	_ =	shalt  }
0x56: {  	_ =	shalt  }
0x57: {  	_ =	shalt  }
0x58: {  	_ =	shalt  }
0x59: {  	_ =	shalt  }
0x5a: {  	_ =	shalt  }
0x5b: {  	_ =	shalt  }
0x5c: {  	_ =	shalt  }
0x5d: {  	_ =	shalt  }
0x5e: {  	_ =	shalt  }
0x5f: {  	_ =	shalt  }
0x60: {  	_ =	shalt  }
0x61: {  	_ =	shalt  }
0x62: {  	_ =	shalt  }
0x63: {  	_ =	shalt  }
0x64: {  	_ =	shalt  }
0x65: {  	_ =	shalt  }
0x66: {  	_ =	shalt  }
0x67: {  	_ =	shalt  }
0x68: {  	_ =	shalt  }
0x69: {  	_ =	shalt  }
0x6a: {  	_ =	shalt  }
0x6b: {  	_ =	shalt  }
0x6c: {  	_ =	shalt  }
0x6d: {  	_ =	shalt  }
0x6e: {  	_ =	shalt  }
0x6f: {  	_ =	shalt  }
0x70: {  	_ =	shalt  }
0x71: {  	_ =	shalt  }
0x72: {  	_ =	shalt  }
0x73: {  	_ =	shalt  }
0x74: {  	_ =	shalt  }
0x75: {  	_ =	shalt  }
0x76: {  	_ =	shalt  }
0x77: {  	_ =	shalt  }
0x78: {  	_ =	shalt  }
0x79: {  	_ =	shalt  }
0x7a: {  	_ =	shalt  }
0x7b: {  	_ =	shalt  }
0x7c: {  	_ =	shalt  }
0x7d: {  	_ =	shalt  }
0x7e: {  	_ =	shalt  }
0x7f: {  	_ =	shalt  }
0x80: {  	_ =	shalt  }
0x81: {  	_ =	shalt  }
0x82: {  	_ =	shalt  }
0x83: {  	_ =	shalt  }
0x84: {  	_ =	shalt  }
0x85: {  	_ =	shalt  }
0x86: {  	_ =	shalt  }
0x87: {  	_ =	shalt  }
.Lfunc_end0:
.L_simem_size_0:
called_computation.2_lowered:
.L_overlay_start_0:
0x88: {  	s2 =	sld [smem:$0x3FD9]  }
0x89: {  	s3 =	sld [smem:$0x3FFE];
	_ =	sdelay $0x1  }
0x8a: {  	s1 =	srdreg.scid  }
0x8b: {  	s0 =	sand.u32 $0x1, s1  }
0x8c: {  	s15 =	sshll.u32 s0, $0xA;
	s2 =	sadd.s32 s3, s2  }
0x8d: {  	s2 =	sadd.s32 s2, s15  }
0x8e: {  	[smem:$0x3FC6] =	sst s2  }
0x8f: {  	_ = 	snop  }
0x90: {  	s2 =	sld [smem:$0x3FD0];
	_ =	sdelay $0x2  }
0x91: {  	s16 =	simm.s32 $0xB;
	s4 =	simm.s32 $0x10  }
0x92: {  	[smem:s4], [sflag:s16] =	dma.local [hbm:s2], $0x1  }
0x93: {  	_ =	swait.eq [sflag:s16], $0x1  }
0x94: {  	[sflag:s16] =	ssyncset.done $0x0  }
0x95: {  	[sflag:s16] =	ssyncadd.s32 $0xFFFFFFFF  }
0x96: {  	s17 =	sld [smem:$0x11];
	(tm) =	ssettm $0x1  }
0x97: {  	s18 =	sld [smem:$0x3FFB];
	_ =	sdelay $0x3  }
0x98: {  	_ =	strace s18  }
0x99: {  	s2 =	sld [smem:$0x3FFC];
	_ =	sdelay $0x3  }
0x9a: {  	_ =	strace s2  }
0x9b: {  	s2 =	sld [smem:$0x3FFD];
	_ =	sdelay $0x3  }
0x9c: {  	_ =	strace s2  }
0x9d: {  	_ =	strace $0x8FFFFFFF  }
0x9e: {  	s19 =	sld [smem:$0x3FDB];
	_ =	sdelay $0x1  }
0x9f: {  	s20 =	simm.s32 $_scs_section_size  }
0xa0: {  	s5 =	simm.s32 $_size__tile_overlayer_lowered;
	s6 =	simm.s32 $_tile_overlayer_lowered  }
0xa1: {  	s7 =	simm.s32 $0x1BFF;
	s21 =	sshll.u32 s6, $0x1;
	s4 =	sadd.s32 s20, s19  }
0xa2: {  	s22 =	simm.s32 $0x0;
	s5 =	sshll.u32 s5, $0x1;
	s6 =	sadd.s32 s21, s4  }
0xa3: {  	[timem:s22], [sflag:s7] =	dma.local [hbm:s6], s5  }
0xa4: {  	_ =	swait.ge [sflag:s7], s5  }
0xa5: {  	s5 =	ssub.s32 $0x0, s5;
	[sflag:s7] =	ssyncset.done $0x0  }
0xa6: {  	[sflag:s7] =	ssyncadd.s32 s5;
	_ =	sdelay $0x1  }
0xa7: {  	s23 =	simm.s32 $0x1B8B  }
0xa8: {  	_ =	swait.ge [sflag:s23], $0x1  }
0xa9: {  	[sflag:s23] =	ssyncset.done $0x0  }
0xaa: {  	[sflag:s23] =	ssyncadd.s32 $0xFFFFFFFF  }
0xab: {  	s5 =	sld [smem:$0x0]  }
0xac: {  	s6 =	sand.u32 $0xFFFFFFFE, s1  }
0xad: {  	p0 =	sne.s32 s1, s6  }
0xae: {  	s6 =	sshll.u32 @p0 s6, $0xE  }
0xaf: {  	s6 =	sadd.s32 @p0 $0x11B8D, s6;
	s7 =	sshll.u32 @p0 s5, $0x11  }
0xb0: {  	s6 =	sor.u32 @p0 s7, s6  }
0xb1: {  	[sflag:s6] =	ssyncadd.remote.s32 @p0 $0x1;
	_ =	sdelay $0x1  }
0xb2: {  	s6 =	simm.s32 @p0 $0x1B8D  }
0xb3: {  	_ =	swait.eq @p0 [sflag:s6], $0x1  }
0xb4: {  	[sflag:s6] =	ssyncadd.s32 @p0 $0xFFFFFFFF  }
0xb5: {  	s7 =	sshll.u32 @!p0 s1, $0xE  }
0xb6: {  	s7 =	sor.u32 @!p0 $0x4000, s7;
	s6 =	simm.s32 @!p0 $0x1B8D  }
0xb7: {  	s5 =	sshll.u32 @!p0 s5, $0x11;
	s7 =	sadd.s32 @!p0 $0x11B8D, s7;
	_ =	swait.eq @!p0 [sflag:s6], $0x1  }
0xb8: {  	s5 =	sor.u32 @!p0 s5, s7;
	[sflag:s6] =	ssyncadd.s32 @!p0 $0xFFFFFFFF  }
0xb9: {  	s25 =	simm.s32 $0x1B8E;
	s24 =	sld [smem:$0x3FFE];
	[sflag:s5] =	ssyncadd.remote.s32 @!p0 $0x1  }
0xba: {  	s26 =	simm.s32 $execute0_lowered;
	[smem:$0x3FD2] =	sst s25  }
0xbb: {  	s6 =	sshll.u32 s26, $0x1;
	_ =	strace $0x80000049;
	[dreg:$0x1] =	wrdreg $0xFFFFFFFF  }
0xbc: {  	s28 =	simm.s32 $_size_execute0_lowered;
	s4 =	sadd.s32 s4, s6;
	[dreg:$0x0] =	wrdreg $0x0  }
0xbd: {  	s6 =	sshll.u32 s28, $0x1;
	[dreg:$0x2] =	wrdreg s4  }
0xbe: {  	[dreg:$0x3] =	wrdreg s6  }
0xbf: {  	[dreg:$0x4] =	wrdreg $0xC0  }
0xc0: {  	_ =	task [dreg:s22], $0x5FFFF  }
0xc1: {  	[dreg:$0x1] =	wrdreg $0xFFFFFFFF  }
0xc2: {  	[dreg:$0x0] =	wrdreg $0x60  }
0xc3: {  	[dreg:$0x2] =	wrdreg s24  }
0xc4: {  	[dreg:$0x3] =	wrdreg s17  }
0xc5: {  	[dreg:$0x4] =	wrdreg $0xA  }
0xc6: {  	_ =	task.clear_ibuf [dreg:s22], $0x5FFFF;
	_ =	strace $0x90000049  }
0xc7: {  	s29 =	simm.s32 $0xA;
	_ =	strace $0x8000004B  }
0xc8: {  	_ =	swait.ge [sflag:s29], $0x1  }
0xc9: {  	[sflag:s29] =	ssyncadd.s32 $0xFFFFFFFF  }
0xca: {  	_ =	strace $0x9000004B  }
0xcb: {  	_ =	sfence  }
0xcc: {  	s30 =	sld [smem:$0x0];
	_ =	sdelay $0x2  }
0xcd: {  	s31 =	sshll.u32 s1, $0xD;
	s1 =	sshrl.u32 s1, $0x2  }
0xce: {  	s4 =	sand.u32 $0x4000, s31;
	s1 =	sadd.s32 s1, s30  }
0xcf: {  	s0 =	sor.u32 s4, s0;
	s1 =	sshll.u32 s1, $0x11  }
0xd0: {  	s0 =	sor.u32 s1, s0  }
0xd1: {  	s0 =	sadd.s32 $0x8F2B, s0  }
0xd2: {  	[sflag:s0] =	ssyncadd.remote.s32 $0x1  }
0xd3: {  	_ =	sfence.sel $0xFFFF  }
0xd4: {  	[dreg:$0x0] =	wrdreg $0xFFFFFFFF;
	(pc) =	sbr.abs _section_cstart, $3  }
0xd5: {  	[dreg:$0x1] =	wrdreg $0xFFFFFFFF  }
0xd6: {  	_ =	task.clear_ibuf [dreg:s22], $0x2FFFF;
	_ =	strace $0x9FFFFFFF  }
0xd7: {  	(tm) =	ssettm $0x7FFFFFFF  }
tec
execute0_lowered:
.L_overlay_start_1:
0x0: {  	(tag) =	ssettag $0x1  }
0x1: {  	s0 =	rddreg [dreg:$0x0]  }
0x2: {  	s2 =	rddreg [dreg:$0x1]  }
0x3: {  	s1 =	srdreg.scid;
	s4 =	stileid.u32  }
0x4: {  	s3 =	simm.s32 $0x0;
	s12 =	simm.s32 $0x1000;
	s13 =	simm.s32 $0x3  }
0x5: {  	s14 =	simm.s32 $0x5;
	s15 =	simm.s32 $0x2000;
	s16 =	simm.s32 $0x1  }
0x6: {  	s17 =	simm.s32 $0x12000;
	s18 =	simm.s32 $0x12C00;
	s19 =	simm.s32 $0x4  }
0x7: {  	s20 =	simm.s32 $0x6;
	s21 =	simm.s32 $0xA000;
	s22 =	simm.s32 $0x2  }
0x8: {  	s23 =	simm.s32 $0x12200;
	s24 =	simm.s32 $0x7;
	s25 =	simm.s32 $0x0  }
0x9: {  	s1 =	sand.u32 $0x1, s1;
	s4 =	sshll.u32 s4, $0x1;
	[smem:$0x7FF] =	sst s3  }
0xa: {  	s5 =	sor.u32 s1, s4;
	_ =	strace $0x8000004A;
	s1 =	ssub.s32 $0x2, s1  }
.Ltmp0:
0xb: {  	s4 =	sshll.u32 s5, $0xB;
	s6 =	sshll.u32 s5, $0x3;
	(pc) =	sbr.rel .LBB2_1-.Ltmp0, $4  }
0xc: {  	v0 =	vlaneseq.u32;
	v1 =	vimm.f32 $0.0e+00;
	s7 =	sshrl.u32 s1, $0x1;
	s5 =	sshll.u32 s5, $0x8;
	s9 =	sadd.s32 s4, s0  }
0xd: {  	vm0 =	vmmov $0xff;
	v7 =	vimm.f32 $1.000000000e+00;
	v5 =	vmul.u32 $0xFFFFFFFF, v0;
	s4 =	sadd.s32 $0x24000, s0;
	s0 =	sadd.s32 s6, s0;
	s1 =	ssub.s32 s1, s7  }
0xe: {  	v2 =	vor.u32 $0x10, v0;
	v3 =	vor.u32 $0x20, v0;
	v6 =	vand.u32 $0x7, v0;
	s6 =	sadd.s32 $0x14000, s9;
	s7 =	sadd.s32 $0x14200, s9;
	s8 =	sadd.s32 $0x14400, s9  }
0xf: {  	v4 =	vor.u32 $0x30, v0;
	v6 =	vmul.u32 $0x40, v6;
	v5 =	vadd.s32 $0xF, v5;
	s9 =	sadd.s32 $0x14600, s9;
	s10 =	sadd.s32 $0xA4000, s0;
	s11 =	smax.u32 s1, $0x1  }
.LBB2_21:
0x10: {  	_ =	swait.ge [sflag:s13], $0x8000  }
0x11: {  	[sflag:s13] =	ssyncset.done $0x0  }
0x12: {  	[sflag:s13] =	ssyncadd.s32 $0xFFFF8000  }
0x13: {  	_ =	swait.ge [sflag:s14], $0x200  }
0x14: {  	[sflag:s14] =	ssyncset.done $0x0  }
0x15: {  	[sflag:s14] =	ssyncadd.s32 $0xFFFFFE00  }
0x16: {  	_ =	swait.ge [sflag:s19], $0x8000  }
0x17: {  	[sflag:s19] =	ssyncset.done $0x0  }
0x18: {  	[sflag:s19] =	ssyncadd.s32 $0xFFFF8000  }
0x19: {  	s25 =	sadd.s32 $0x1, s25;
	_ =	swait.ge [sflag:s20], $0x200  }
0x1a: {  	p0 =	sne.s32 s25, s11;
	[sflag:s20] =	ssyncset.done $0x0  }
.Ltmp1:
0x1b: {  	[sflag:s20] =	ssyncadd.s32 $0xFFFFFE00;
	(pc) =	sbr.rel @!p0 .LBB2_22-.Ltmp1, $4  }
0x1c: {  	[hbm4b:s10+s3] =	stream.linear.scatter [tilespmem:s18], [sflag:$0x7], $0x40, $0x38;
	[tilespmem:$0x12C80] =	vst v63  }
0x1d: {  	_ =	swait.ge [sflag:s24], $0x40  }
0x1e: {  	[sflag:s24] =	ssyncset.done $0x0  }
0x1f: {  	[sflag:s24] =	ssyncadd.s32 $0xFFFFFFC0  }
.LBB2_1:
0x20: {  	s0 =	simm.s32 $0x0;
	s1 =	simm.s32 $0x200  }
.LBB2_2:
0x21: {  	p0 =	sne.s32 s1, $0x1FE00;
	[tilespmem:s0+$0x2070] =	vst v1  }
0x22: {  	[tilespmem:s0+$0x2000] =	vst v1  }
0x23: {  	[tilespmem:s0+$0x2010] =	vst v1  }
.Ltmp2:
0x24: {  	[tilespmem:s0+$0x2020] =	vst v1;
	(pc) =	sbr.rel @p0 .LBB2_2-.Ltmp2, $4  }
0x25: {  	[tilespmem:s0+$0x2030] =	vst v1  }
0x26: {  	[tilespmem:s0+$0x2040] =	vst v1  }
0x27: {  	[tilespmem:s0+$0x2050] =	vst v1  }
0x28: {  	[tilespmem:s0+$0x2060] =	vst v1;
	s0 =	sshra.s32 s1, $0x2;
	s1 =	sadd.s32 $0x200, s1  }
0x29: {  	[tilespmem:s0+$0x2070] =	vst v1  }
0x2a: {  	[tilespmem:s0+$0x2000] =	vst v1  }
0x2b: {  	[tilespmem:s0+$0x2010] =	vst v1  }
0x2c: {  	[tilespmem:s0+$0x2020] =	vst v1  }
0x2d: {  	[tilespmem:s0+$0x2030] =	vst v1  }
0x2e: {  	[tilespmem:s0+$0x2040] =	vst v1  }
0x2f: {  	[tilespmem:s0+$0x2050] =	vst v1  }
0x30: {  	[tilespmem:s0+$0x2060] =	vst v1;
	s0 =	simm.s32 $0x0;
	s1 =	simm.s32 $0x200  }
.LBB2_4:
0x31: {  	p0 =	sne.s32 s1, $0x1FE00;
	[tilespmem:s0+$0xA070] =	vst v1  }
0x32: {  	[tilespmem:s0+$0xA000] =	vst v1  }
0x33: {  	[tilespmem:s0+$0xA010] =	vst v1  }
.Ltmp3:
0x34: {  	[tilespmem:s0+$0xA020] =	vst v1;
	(pc) =	sbr.rel @p0 .LBB2_4-.Ltmp3, $4  }
0x35: {  	[tilespmem:s0+$0xA030] =	vst v1  }
0x36: {  	[tilespmem:s0+$0xA040] =	vst v1  }
0x37: {  	[tilespmem:s0+$0xA050] =	vst v1  }
0x38: {  	[tilespmem:s0+$0xA060] =	vst v1;
	s0 =	sshra.s32 s1, $0x2;
	s1 =	sadd.s32 $0x200, s1  }
0x39: {  	[tilespmem:s0+$0xA070] =	vst v1  }
0x3a: {  	[tilespmem:s0+$0xA000] =	vst v1  }
0x3b: {  	[tilespmem:s0+$0xA010] =	vst v1  }
0x3c: {  	[tilespmem:s0+$0xA020] =	vst v1  }
0x3d: {  	[tilespmem:s0+$0xA030] =	vst v1  }
0x3e: {  	[tilespmem:s0+$0xA040] =	vst v1  }
0x3f: {  	[tilespmem:s0+$0xA050] =	vst v1  }
0x40: {  	[tilespmem:s0+$0xA060] =	vst v1  }
0x41: {  	[tilespmem:$0x12C00] =	vst v1  }
0x42: {  	[tilespmem:$0x12C10] =	vst v1  }
0x43: {  	[tilespmem:$0x12C20] =	vst v1  }
0x44: {  	s28 =	simm.s32 $0x0;
	p0 =	por $0x0, $0x0;
	s0 =	smov.u32 s7;
	[tilespmem:$0x12C30] =	vst v1  }
0x45: {  	[tilespmem:s28], [sflag:$0x1] =	stream.linear.gather [hbm4b:s6+s28], $0x1000, $0x38;
	[tilespmem:$0x12C80] =	vst v63  }
.LBB2_6:
.Ltmp4:
0x46: {  	(pc) =	sbr.rel @!p0 .LBB2_10-.Ltmp4, $2  }
0x47: {  	_ =	sdelay $0x2  }
0x48: {  	[tilespmem:s12], [sflag:$0x2] =	stream.linear.gather [hbm4b:s0+s3], $0x1000, $0x38;
	[tilespmem:$0x12C80] =	vst v63  }
0x49: {  	_ =	swait.ge [sflag:s13], $0x8000  }
0x4a: {  	[sflag:s13] =	ssyncset.done $0x0  }
0x4b: {  	[sflag:s13] =	ssyncadd.s32 $0xFFFF8000  }
0x4c: {  	_ =	swait.ge [sflag:s14], $0x200  }
0x4d: {  	[sflag:s14] =	ssyncset.done $0x0  }
0x4e: {  	s1 =	simm.s32 $0x0;
	s0 =	simm.s32 $0x40;
	[sflag:s14] =	ssyncadd.s32 $0xFFFFFE00  }
.LBB2_8:
0x4f: {  	p1 =	sne.s32 s0, $0xFC0;
	v8 =	vld [tilespmem:s1+$0x12400];
	_ =	sdelay $0x3  }
.Ltmp5:
0x50: {  	(pc) =	sbr.rel @p1 .LBB2_8-.Ltmp5, $2  }
0x51: {  	_ =	sdelay $0x2  }
0x52: {  	s1 =	sshra.s32 s0, $0x2;
	s0 =	sadd.s32 $0x40, s0;
	[tilespmem:v8+s15+$0x0] =	vst.idx.msk $0xff, v1  }
0x53: {  	v8 =	vld [tilespmem:s1+$0x12400];
	_ =	sdelay $0x7  }
0x54: {  	[tilespmem:v8+s15+$0x0] =	vst.idx.msk $0xff, v1  }
.LBB2_10:
0x55: {  	_ =	swait.ge [sflag:s16], $0x1000  }
0x56: {  	[sflag:s16] =	ssyncset.done $0x0  }
0x57: {  	s29 =	simm.s32 $0x20;
	[sflag:s16] =	ssyncadd.s32 $0xFFFFF000  }
0x58: {  	v8 =	vld [tilespmem:s29+$0x10]  }
0x59: {  	v9 =	vld [tilespmem:s29+$0x0]  }
0x5a: {  	v10 =	vld [tilespmem:s29+$0xFFFFFFF0];
	_ =	sdelay $0x2  }
0x5b: {  	v11 =	vld [tilespmem:s29+$0xFFFFFFE0];
	(xrf1) =	vsort.dscd.msk.f32 $0xffff, v8, v4  }
0x5c: {  	(xrf1) =	vsort.dscd.msk.f32 $0xffff, v9, v3  }
0x5d: {  	(xrf1) =	vsort.dscd.msk.f32 $0xffff, v10, v2;
	_ =	sdelay $0x2  }
0x5e: {  	(xrf1) =	vsort.dscd.msk.f32 $0xffff, v11, v0;
	_ =	sdelay $0x8  }
0x5f: {  	v8, v9, _ =	vpop (xrf1)  }
0x60: {  	v10, v11, _ =	vpop (xrf1)  }
0x61: {  	v8 =	vperm.xlane v8, v5;
	v9 =	vperm.xlane v9, v5;
	v12, v13, _ =	vpop (xrf1)  }
0x62: {  	v12 =	vperm.xlane v12, v5  }
0x63: {  	v8 =	vsel vm0, v10, v8;
	v9 =	vsel vm0, v11, v9;
	v10 =	vperm.xlane v13, v5  }
0x64: {  	v11, v63, _ =	vpop (xrf1);
	(xrf1) =	vsort.dscd.msk.f32 $0xffff, v8, v9  }
0x65: {  	v8 =	vsel vm0, v11, v12;
	v9 =	vsel vm0, v63, v10  }
0x66: {  	(xrf1) =	vsort.dscd.msk.f32 $0xffff, v8, v9;
	_ =	sdelay $0xb  }
0x67: {  	v8, v9, _ =	vpop (xrf1)  }
0x68: {  	v8 =	vperm.xlane v8, v5;
	v9 =	vperm.xlane v9, v5  }
0x69: {  	v10, v11, _ =	vpop (xrf1)  }
0x6a: {  	v8 =	vsel vm0, v10, v8;
	v9 =	vsel vm0, v11, v9  }
0x6b: {  	(xrf1) =	vsort.dscd.msk.f32 $0xffff, v8, v9;
	_ =	sdelay $0xd  }
0x6c: {  	v9, v8, _ =	vpop (xrf1)  }
0x6d: {  	(xrf0) =	vmax.scan.msk.f32 $0xffff, v9;
	_ =	sdelay $0x5  }
0x6e: {  	v10, _, _ =	vpop (xrf0)  }
0x6f: {  	v10 =	vbroadcast v10, $0xF;
	_ =	sdelay $0x1  }
0x70: {  	v9 =	vsub.f32 v9, v10;
	_ =	sdelay $0x1  }
0x71: {  	v9 =	vmul.f32 $1.442695020e+00, v9;
	_ =	sdelay $0x1  }
0x72: {  	(erf) = vpow2.f32 v9;
	_ =	sdelay $0x8  }
0x73: {  	v9 =	vpop (erf)  }
0x74: {  	v9 =	vnsel vm0, $0x0, v9  }
0x75: {  	(xrf2) =	vadd.scan.msk.f32 $0xffff, v9;
	_ =	sdelay $0x9  }
0x76: {  	v10, _, _ =	vpop (xrf2)  }
0x77: {  	v10 =	vbroadcast v10, $0xF  }
0x78: {  	s30 =	simm.s32 $0x0  }
0x79: {  	(erf) = vrcp.f32 v10;
	v10 =	vadd.s32 s30, v8  }
0x7a: {  	v10 =	vadd.s32 v6, v10;
	_ =	sdelay $0x4  }
0x7b: {  	s31 =	simm.s32 $0x12400;
	[tilespmem:v10+s15+$0x0] =	vst.idx.msk $0xff, v7  }
0x7c: {  	[tilespmem:s31+$0x0] =	vst v10;
	v10 =	vadd.s32 s30, v0;
	_ =	sdelay $0x1  }
0x7d: {  	v11 =	vpop (erf)  }
0x7e: {  	s26 =	sshll.u32 s28, $0xA;
	s0 =	simm.s32 $0x200;
	v9 =	vmul.f32 v11, v9  }
.LBB2_11:
0x7f: {  	_ = 	snop  }
0x80: {  	s30 =	sadd.s32 $0x8, s30;
	s31 =	sadd.s32 $0x10, s31;
	s29 =	sadd.s32 $0x40, s29;
	[tilespmem:v10+s17+$0x0] =	vst.idx.msk $0xff, v9  }
0x81: {  	p1 =	sne.s32 s0, $0x7E00;
	s1 =	smov.u32 s0;
	s0 =	sadd.s32 $0x200, s0;
	[tilespmem:v8+s18+$0x0] =	vst.idx.add.f32.msk $0xff, v9  }
0x82: {  	v8 =	vld [tilespmem:s29+$0x10]  }
0x83: {  	v9 =	vld [tilespmem:s29+$0x0]  }
0x84: {  	v10 =	vld [tilespmem:s29+$0xFFFFFFF0];
	_ =	sdelay $0x1  }
0x85: {  	v11 =	vld [tilespmem:s29+$0xFFFFFFE0]  }
0x86: {  	(xrf1) =	vsort.dscd.msk.f32 $0xffff, v8, v4  }
0x87: {  	(xrf1) =	vsort.dscd.msk.f32 $0xffff, v9, v3  }
0x88: {  	(xrf1) =	vsort.dscd.msk.f32 $0xffff, v10, v2;
	_ =	sdelay $0x1  }
0x89: {  	(xrf1) =	vsort.dscd.msk.f32 $0xffff, v11, v0;
	_ =	sdelay $0x9  }
0x8a: {  	v8, v9, _ =	vpop (xrf1)  }
0x8b: {  	v8 =	vperm.xlane v8, v5;
	v9 =	vperm.xlane v9, v5;
	v10, v11, _ =	vpop (xrf1)  }
0x8c: {  	v12, v13, _ =	vpop (xrf1)  }
0x8d: {  	v12 =	vperm.xlane v12, v5;
	v8 =	vsel vm0, v10, v8;
	v9 =	vsel vm0, v11, v9  }
0x8e: {  	v10 =	vperm.xlane v13, v5;
	v11, v13, _ =	vpop (xrf1);
	(xrf1) =	vsort.dscd.msk.f32 $0xffff, v8, v9  }
0x8f: {  	v8 =	vsel vm0, v11, v12  }
0x90: {  	v9 =	vsel vm0, v13, v10  }
0x91: {  	(xrf1) =	vsort.dscd.msk.f32 $0xffff, v8, v9;
	_ =	sdelay $0xa  }
0x92: {  	v8, v9, _ =	vpop (xrf1)  }
0x93: {  	v8 =	vperm.xlane v8, v5;
	v9 =	vperm.xlane v9, v5;
	_ =	sdelay $0x1  }
0x94: {  	v10, v11, _ =	vpop (xrf1)  }
0x95: {  	v8 =	vsel vm0, v10, v8;
	v9 =	vsel vm0, v11, v9  }
0x96: {  	(xrf1) =	vsort.dscd.msk.f32 $0xffff, v8, v9;
	_ =	sdelay $0xd  }
0x97: {  	v9, v8, _ =	vpop (xrf1)  }
0x98: {  	v10 =	vadd.s32 s1, v8;
	(xrf0) =	vmax.scan.msk.f32 $0xffff, v9  }
0x99: {  	v10 =	vadd.s32 v6, v10;
	_ =	sdelay $0x4  }
0x9a: {  	[tilespmem:v10+s15+$0x0] =	vst.idx.msk $0xff, v7;
	v11, _, _ =	vpop (xrf0)  }
0x9b: {  	v11 =	vbroadcast v11, $0xF;
	[tilespmem:s31+$0x0] =	vst v10;
	_ =	sdelay $0x1  }
0x9c: {  	v9 =	vsub.f32 v9, v11;
	_ =	sdelay $0x1  }
0x9d: {  	v9 =	vmul.f32 $1.442695020e+00, v9;
	_ =	sdelay $0x1  }
0x9e: {  	(erf) = vpow2.f32 v9;
	_ =	sdelay $0x8  }
0x9f: {  	v9 =	vpop (erf)  }
0xa0: {  	v9 =	vnsel vm0, $0x0, v9  }
0xa1: {  	(xrf2) =	vadd.scan.msk.f32 $0xffff, v9;
	_ =	sdelay $0x9  }
0xa2: {  	v10, _, _ =	vpop (xrf2)  }
0xa3: {  	v10 =	vbroadcast v10, $0xF;
	_ =	sdelay $0x1  }
0xa4: {  	(erf) = vrcp.f32 v10;
	_ =	sdelay $0x5  }
.Ltmp6:
0xa5: {  	v10 =	vadd.s32 s30, v0;
	(pc) =	sbr.rel @p1 .LBB2_11-.Ltmp6, $3  }
0xa6: {  	_ =	sdelay $0x1  }
0xa7: {  	v11 =	vpop (erf)  }
0xa8: {  	v9 =	vmul.f32 v11, v9  }
0xa9: {  	_ =	sdelay $0x1  }
0xaa: {  	s0 =	sshll.u32 s28, $0x7  }
0xab: {  	s28 =	sor.u32 s5, s0  }
.Ltmp7:
0xac: {  	[tilespmem:v10+s17+$0x0] =	vst.idx.msk $0xff, v9;
	s0 =	sshll.u32 s28, $0x6;
	(pc) =	sbr.rel @!p0 .LBB2_13-.Ltmp7, $4  }
0xad: {  	[tilespmem:v8+s18+$0x0] =	vst.idx.add.f32.msk $0xff, v9;
	s0 =	sadd.s32 s4, s0  }
0xae: {  	[hbm4b:s0+s3] =	stream.linear.scatter [tilespmem:s15], [sflag:$0x3], $0x8000, $0x38;
	[tilespmem:$0x12C80] =	vst v63  }
0xaf: {  	s31 =	sadd.s32 s2, s28  }
0xb0: {  	[hbm4b:s31+s3] =	stream.linear.scatter [tilespmem:s17], [sflag:$0x5], $0x200, $0x38;
	[tilespmem:$0x12C80] =	vst v63  }
0xb1: {  	_ =	swait.ge [sflag:s19], $0x8000  }
0xb2: {  	[sflag:s19] =	ssyncset.done $0x0  }
0xb3: {  	[sflag:s19] =	ssyncadd.s32 $0xFFFF8000  }
0xb4: {  	_ =	swait.ge [sflag:s20], $0x200  }
0xb5: {  	[sflag:s20] =	ssyncset.done $0x0  }
0xb6: {  	s1 =	simm.s32 $0x0;
	s0 =	simm.s32 $0x40;
	[sflag:s20] =	ssyncadd.s32 $0xFFFFFE00  }
.LBB2_15:
0xb7: {  	p1 =	sne.s32 s0, $0xFC0;
	v8 =	vld [tilespmem:s1+$0x12800];
	_ =	sdelay $0x3  }
.Ltmp8:
0xb8: {  	(pc) =	sbr.rel @p1 .LBB2_15-.Ltmp8, $2  }
0xb9: {  	_ =	sdelay $0x2  }
0xba: {  	s1 =	sshra.s32 s0, $0x2;
	s0 =	sadd.s32 $0x40, s0;
	[tilespmem:v8+s21+$0x0] =	vst.idx.msk $0xff, v1  }
0xbb: {  	v8 =	vld [tilespmem:s1+$0x12800];
	_ =	sdelay $0x3  }
.Ltmp9:
0xbc: {  	_ = 	snop;
	(pc) =	sbr.rel .LBB2_17-.Ltmp9, $2  }
0xbd: {  	_ =	sdelay $0x2  }
0xbe: {  	[tilespmem:v8+s21+$0x0] =	vst.idx.msk $0xff, v1  }
.LBB2_13:
0xbf: {  	[tilespmem:s3], [sflag:$0x1] =	stream.linear.gather [hbm4b:s8+s3], $0x1000, $0x38;
	[tilespmem:$0x12C80] =	vst v63  }
.LBB2_17:
0xc0: {  	_ =	swait.ge [sflag:s22], $0x1000  }
0xc1: {  	[sflag:s22] =	ssyncset.done $0x0  }
0xc2: {  	s29 =	simm.s32 $0x1020;
	[sflag:s22] =	ssyncadd.s32 $0xFFFFF000  }
0xc3: {  	v8 =	vld [tilespmem:s29+$0x10]  }
0xc4: {  	v9 =	vld [tilespmem:s29+$0x0]  }
0xc5: {  	v10 =	vld [tilespmem:s29+$0xFFFFFFF0];
	_ =	sdelay $0x2  }
0xc6: {  	v11 =	vld [tilespmem:s29+$0xFFFFFFE0];
	(xrf1) =	vsort.dscd.msk.f32 $0xffff, v8, v4  }
0xc7: {  	(xrf1) =	vsort.dscd.msk.f32 $0xffff, v9, v3  }
0xc8: {  	(xrf1) =	vsort.dscd.msk.f32 $0xffff, v10, v2;
	_ =	sdelay $0x2  }
0xc9: {  	(xrf1) =	vsort.dscd.msk.f32 $0xffff, v11, v0;
	_ =	sdelay $0x8  }
0xca: {  	v8, v9, _ =	vpop (xrf1)  }
0xcb: {  	v10, v11, _ =	vpop (xrf1)  }
0xcc: {  	v8 =	vperm.xlane v8, v5;
	v9 =	vperm.xlane v9, v5;
	v12, v13, _ =	vpop (xrf1)  }
0xcd: {  	v12 =	vperm.xlane v12, v5  }
0xce: {  	v8 =	vsel vm0, v10, v8;
	v9 =	vsel vm0, v11, v9;
	v10 =	vperm.xlane v13, v5  }
0xcf: {  	v11, v63, _ =	vpop (xrf1);
	(xrf1) =	vsort.dscd.msk.f32 $0xffff, v8, v9  }
0xd0: {  	v8 =	vsel vm0, v11, v12;
	v9 =	vsel vm0, v63, v10  }
0xd1: {  	(xrf1) =	vsort.dscd.msk.f32 $0xffff, v8, v9;
	_ =	sdelay $0xb  }
0xd2: {  	v8, v9, _ =	vpop (xrf1)  }
0xd3: {  	v8 =	vperm.xlane v8, v5;
	v9 =	vperm.xlane v9, v5  }
0xd4: {  	v10, v11, _ =	vpop (xrf1)  }
0xd5: {  	v8 =	vsel vm0, v10, v8;
	v9 =	vsel vm0, v11, v9  }
0xd6: {  	(xrf1) =	vsort.dscd.msk.f32 $0xffff, v8, v9;
	_ =	sdelay $0xd  }
0xd7: {  	v9, v8, _ =	vpop (xrf1)  }
0xd8: {  	(xrf0) =	vmax.scan.msk.f32 $0xffff, v9;
	_ =	sdelay $0x5  }
0xd9: {  	v10, _, _ =	vpop (xrf0)  }
0xda: {  	v10 =	vbroadcast v10, $0xF;
	_ =	sdelay $0x1  }
0xdb: {  	v9 =	vsub.f32 v9, v10;
	_ =	sdelay $0x1  }
0xdc: {  	v9 =	vmul.f32 $1.442695020e+00, v9;
	_ =	sdelay $0x1  }
0xdd: {  	(erf) = vpow2.f32 v9;
	_ =	sdelay $0x8  }
0xde: {  	v9 =	vpop (erf)  }
0xdf: {  	v9 =	vnsel vm0, $0x0, v9  }
0xe0: {  	(xrf2) =	vadd.scan.msk.f32 $0xffff, v9;
	_ =	sdelay $0x9  }
0xe1: {  	v10, _, _ =	vpop (xrf2)  }
0xe2: {  	v10 =	vbroadcast v10, $0xF  }
0xe3: {  	s30 =	simm.s32 $0x0  }
0xe4: {  	(erf) = vrcp.f32 v10;
	v10 =	vadd.s32 s30, v8  }
0xe5: {  	v10 =	vadd.s32 v6, v10;
	_ =	sdelay $0x4  }
0xe6: {  	s31 =	simm.s32 $0x12800;
	[tilespmem:v10+s21+$0x0] =	vst.idx.msk $0xff, v7  }
0xe7: {  	[tilespmem:s31+$0x0] =	vst v10;
	v10 =	vadd.s32 s30, v0;
	_ =	sdelay $0x1  }
0xe8: {  	v11 =	vpop (erf)  }
0xe9: {  	s0 =	simm.s32 $0x200;
	v9 =	vmul.f32 v11, v9  }
.LBB2_18:
0xea: {  	_ = 	snop  }
0xeb: {  	s30 =	sadd.s32 $0x8, s30;
	s31 =	sadd.s32 $0x10, s31;
	s29 =	sadd.s32 $0x40, s29;
	[tilespmem:v10+s23+$0x0] =	vst.idx.msk $0xff, v9  }
0xec: {  	p1 =	sne.s32 s0, $0x7E00;
	s1 =	smov.u32 s0;
	s0 =	sadd.s32 $0x200, s0;
	[tilespmem:v8+s18+$0x0] =	vst.idx.add.f32.msk $0xff, v9  }
0xed: {  	v8 =	vld [tilespmem:s29+$0x10]  }
0xee: {  	v9 =	vld [tilespmem:s29+$0x0]  }
0xef: {  	v10 =	vld [tilespmem:s29+$0xFFFFFFF0];
	_ =	sdelay $0x1  }
0xf0: {  	v11 =	vld [tilespmem:s29+$0xFFFFFFE0]  }
0xf1: {  	(xrf1) =	vsort.dscd.msk.f32 $0xffff, v8, v4  }
0xf2: {  	(xrf1) =	vsort.dscd.msk.f32 $0xffff, v9, v3  }
0xf3: {  	(xrf1) =	vsort.dscd.msk.f32 $0xffff, v10, v2;
	_ =	sdelay $0x1  }
0xf4: {  	(xrf1) =	vsort.dscd.msk.f32 $0xffff, v11, v0;
	_ =	sdelay $0x9  }
0xf5: {  	v8, v9, _ =	vpop (xrf1)  }
0xf6: {  	v8 =	vperm.xlane v8, v5;
	v9 =	vperm.xlane v9, v5;
	v10, v11, _ =	vpop (xrf1)  }
0xf7: {  	v12, v13, _ =	vpop (xrf1)  }
0xf8: {  	v12 =	vperm.xlane v12, v5;
	v8 =	vsel vm0, v10, v8;
	v9 =	vsel vm0, v11, v9  }
0xf9: {  	v10 =	vperm.xlane v13, v5;
	v11, v13, _ =	vpop (xrf1);
	(xrf1) =	vsort.dscd.msk.f32 $0xffff, v8, v9  }
0xfa: {  	v8 =	vsel vm0, v11, v12  }
0xfb: {  	v9 =	vsel vm0, v13, v10  }
0xfc: {  	(xrf1) =	vsort.dscd.msk.f32 $0xffff, v8, v9;
	_ =	sdelay $0xa  }
0xfd: {  	v8, v9, _ =	vpop (xrf1)  }
0xfe: {  	v8 =	vperm.xlane v8, v5;
	v9 =	vperm.xlane v9, v5;
	_ =	sdelay $0x1  }
0xff: {  	v10, v11, _ =	vpop (xrf1)  }
0x100: {  	v8 =	vsel vm0, v10, v8;
	v9 =	vsel vm0, v11, v9  }
0x101: {  	(xrf1) =	vsort.dscd.msk.f32 $0xffff, v8, v9;
	_ =	sdelay $0xd  }
0x102: {  	v9, v8, _ =	vpop (xrf1)  }
0x103: {  	v10 =	vadd.s32 s1, v8;
	(xrf0) =	vmax.scan.msk.f32 $0xffff, v9  }
0x104: {  	v10 =	vadd.s32 v6, v10;
	_ =	sdelay $0x4  }
0x105: {  	[tilespmem:v10+s21+$0x0] =	vst.idx.msk $0xff, v7;
	v11, _, _ =	vpop (xrf0)  }
0x106: {  	v11 =	vbroadcast v11, $0xF;
	[tilespmem:s31+$0x0] =	vst v10;
	_ =	sdelay $0x1  }
0x107: {  	v9 =	vsub.f32 v9, v11;
	_ =	sdelay $0x1  }
0x108: {  	v9 =	vmul.f32 $1.442695020e+00, v9;
	_ =	sdelay $0x1  }
0x109: {  	(erf) = vpow2.f32 v9;
	_ =	sdelay $0x8  }
0x10a: {  	v9 =	vpop (erf)  }
0x10b: {  	v9 =	vnsel vm0, $0x0, v9  }
0x10c: {  	(xrf2) =	vadd.scan.msk.f32 $0xffff, v9;
	_ =	sdelay $0x9  }
0x10d: {  	v10, _, _ =	vpop (xrf2)  }
0x10e: {  	v10 =	vbroadcast v10, $0xF;
	_ =	sdelay $0x1  }
0x10f: {  	(erf) = vrcp.f32 v10;
	_ =	sdelay $0x5  }
.Ltmp10:
0x110: {  	v10 =	vadd.s32 s30, v0;
	(pc) =	sbr.rel @p1 .LBB2_18-.Ltmp10, $3  }
0x111: {  	_ =	sdelay $0x1  }
0x112: {  	v11 =	vpop (erf)  }
0x113: {  	v9 =	vmul.f32 v11, v9  }
0x114: {  	_ =	sdelay $0x1  }
0x115: {  	s0 =	sor.u32 $0x40, s28  }
0x116: {  	s1 =	sshll.u32 s0, $0x6  }
.Ltmp11:
0x117: {  	[tilespmem:v10+s23+$0x0] =	vst.idx.msk $0xff, v9;
	s1 =	sand.u32 $0x1FFFF000, s1;
	(pc) =	sbr.rel @p0 .LBB2_21-.Ltmp11, $4  }
0x118: {  	[tilespmem:v8+s18+$0x0] =	vst.idx.add.f32.msk $0xff, v9;
	s1 =	sadd.s32 s4, s1  }
0x119: {  	[hbm4b:s1+s3] =	stream.linear.scatter [tilespmem:s21], [sflag:$0x4], $0x8000, $0x38;
	[tilespmem:$0x12C80] =	vst v63  }
0x11a: {  	s0 =	sadd.s32 s2, s0  }
0x11b: {  	[hbm4b:s0+s3] =	stream.linear.scatter [tilespmem:s23], [sflag:$0x6], $0x200, $0x38;
	[tilespmem:$0x12C80] =	vst v63  }
.Ltmp12:
0x11c: {  	(pc) =	sbr.rel .LBB2_6-.Ltmp12, $2  }
0x11d: {  	_ =	sdelay $0x2  }
0x11e: {  	s0 =	sadd.s32 s26, s9;
	s28 =	simm.s32 $0x1;
	p0 =	por $0x1, $0x1  }
.LBB2_22:
0x11f: {  	_ =	sfence.sel $0x180000  }
0x120: {  	[bflag:$0x0] =	sbarrier.arrive $0xFFFF  }
0x121: {  	_ =	strace $0x9000004A  }
0x122: {  	s0 =	stileid.u32;
	[bflag:$0x2] =	sbarrier.arrive $0xFFFF  }
0x123: {  	p0 =	sne.s32 s0, $0x0;
	s0 =	rddreg [dreg:$0x2]  }
0x124: {  	s0 =	sadd.s32 @!p0 $0x100000, s0  }
0x125: {  	[sflag:s0] =	ssyncadd.tile.s32 @!p0 $0x1;
	_ =	shalt  }
.Lfunc_end2:
_tile_overlayer_lowered:
.L_overlay_start_2:
0x126: {  	(tag) =	ssettag $0x2  }
0x127: {  	s0 =	rddreg [dreg:$0x0];
	s2 =	stileid.u32  }
0x128: {  	s1 =	rddreg [dreg:$0x1];
	p0 =	sne.s32 s2, $0x0  }
0x129: {  	s3 =	rddreg [dreg:$0x2];
	[bflag:$0x3] =	sbarrier.arrive $0xFFFF;
	s2 =	simm.s32 @!p0 $0x1C07  }
0x12a: {  	[timem:s3], [sflag:s2] =	dma.local @!p0 [hbm:s0], s1  }
0x12b: {  	s0 =	simm.s32 @!p0 $0x7  }
0x12c: {  	_ =	swait.ge @!p0 [sflag:s0], s1  }
0x12d: {  	s1 =	ssub.s32 @!p0 $0x0, s1;
	[sflag:s0] =	ssyncset.done @!p0 $0x0  }
0x12e: {  	[sflag:s0] =	ssyncadd.s32 @!p0 s1  }
0x12f: {  	[bflag:$0x3] =	sbarrier.arrive $0xFFFF  }
0x130: {  	_ =	shalt  }

// kernel: kernel.7.cloned.1.call-start
scs
__scs_entry_jumppad:
0x0: {  	(pc) =	sbr.rel $0x88, $3  }
0x1: {  	(tag) =	ssettag $0x0;
	lr =	simm.s32 $0x1  }
0x2: {  	[smem:$0x3F9F] =	sst lr;
	_ =	strace $0xD0000000  }
0x3: {  	_ = 	snop  }
0x4: {  	_ = 	snop  }
0x5: {  	_ = 	snop  }
0x6: {  	_ = 	snop  }
0x7: {  	_ = 	snop  }
__scs_overlays_trampoline_lowered:
0x8: {  	[smem:$0x3FAE] =	sst s0  }
0x9: {  	[smem:$0x3FAF] =	sst s1  }
0xa: {  	[smem:$0x3FB0] =	sst s2  }
0xb: {  	[smem:$0x3FB1] =	sst s3  }
0xc: {  	[smem:$0x3FB2] =	sst s4  }
0xd: {  	[smem:$0x3FB3] =	sst s5  }
0xe: {  	[smem:$0x3FB4] =	sst s6  }
0xf: {  	[smem:$0x3FB5] =	sst s7  }
0x10: {  	[smem:$0x3FB6] =	sst s8  }
0x11: {  	[smem:$0x3FB7] =	sst s9;
	s0 =	simm.s32 @!p0 $0x0  }
0x12: {  	s1 =	sld [smem:$0x3F9D];
	s0 =	simm.s32 @p0 $0x1  }
0x13: {  	[smem:$0x3FB8] =	sst s0;
	s0 =	simm.s32 @!p1 $0x0  }
0x14: {  	s2 =	sld [smem:$0x3F9C];
	s0 =	simm.s32 @p1 $0x1  }
0x15: {  	[smem:$0x3FB9] =	sst s0;
	s0 =	simm.s32 @!p2 $0x0  }
0x16: {  	s3 =	sld [smem:$0x3FDB];
	s0 =	simm.s32 @p2 $0x1  }
0x17: {  	s4 =	simm.s32 $0x1BF5;
	[smem:$0x3FBB] =	sst s0  }
0x18: {  	s0 =	sld [smem:$0x3F9E];
	_ =	swait.ge [sflag:s4], $0x0  }
0x19: {  	s7 =	sld [smem:$0x3F9F]  }
0x1a: {  	s8 =	sadd.s32 $0xFFFFE003, lr  }
0x1b: {  	s9 =	sadd.s32 $0xFFFFFEF7, lr;
	s5 =	simm.s32 $0xFFFFFFFF;
	p2 =	slt.u32 s8, $0xFFFFF086  }
0x1c: {  	p1 =	slt.u32 s9, $0xF7A;
	s5 =	simm.s32 @!p2 $0x0  }
0x1d: {  	s5 =	simm.s32 @p1 $0x1;
	p0 =	seq.s32 s7, s2  }
0x1e: {  	s7 =	smul.u32 @!p0 $0xF7A, s2;
	p2 =	seq.s32 @!p0 s5, $0x0  }
0x1f: {  	s9 =	smul.u32 $0xF7A, s1;
	s8 =	simm.s32 @!p0 $0x1BF5;
	p2 =	por !p2, p0  }
0x20: {  	[sflag:s8] =	ssyncset.s32 @!p0 $0xFFFFF086;
	s6 =	sadd.s32 @!p0 s3, s7;
	s7 =	simm.s32 @!p0 $0x108  }
0x21: {  	s3 =	sadd.s32 s3, s9;
	s6 =	sadd.s32 @!p0 $0x88, s6;
	s7 =	simm.s32 @p2 $0x1082  }
0x22: {  	[simem:s7], [sflag:s8] =	dma.local @!p0 [hbm:s6], $0xF7A  }
0x23: {  	s9 =	sor.u32 $0xD0000000, s2;
	s6 =	simm.s32 $0x108;
	_ =	swait.ge @!p0 [sflag:s8], $0x0  }
0x24: {  	s3 =	sadd.s32 $0x88, s3;
	s6 =	simm.s32 @!p1 $0x1082;
	[sflag:s4] =	ssyncset.s32 $0xFFFFF086  }
0x25: {  	[simem:s6], [sflag:s4] =	dma.local [hbm:s3], $0xF7A  }
0x26: {  	[smem:$0x3F9F] =	sst s1;
	(tag) =	ssettag s2;
	_ =	strace s9  }
0x27: {  	s1 =	sld [smem:$0x3FAF]  }
0x28: {  	s2 =	sld [smem:$0x3FB0]  }
0x29: {  	s4 =	sld [smem:$0x3FB2]  }
0x2a: {  	p0 =	seq.s32 s5, $0x0;
	s5 =	sld [smem:$0x3FB3]  }
0x2b: {  	s6 =	sld [smem:$0x3FB4]  }
0x2c: {  	s7 =	sld [smem:$0x3FB5]  }
0x2d: {  	s3 =	simm.s32 $0x108;
	s8 =	sld [smem:$0x3FB6]  }
0x2e: {  	s3 =	simm.s32 @!p0 $0x1082;
	s9 =	sld [smem:$0x3FB7]  }
0x2f: {  	lr =	sadd.s32 s0, s3;
	s0 =	sld [smem:$0x3FAE]  }
0x30: {  	s3 =	sld [smem:$0x3FB1]  }
0x31: {  	[smem:$0x3FBA] =	sst s10  }
0x32: {  	s10 =	sld [smem:$0x3FB8];
	_ =	sdelay $0x3  }
0x33: {  	p0 =	seq.s32 s10, $0x1;
	s10 =	sld [smem:$0x3FBA];
	_ =	sdelay $0x3  }
0x34: {  	[smem:$0x3FBA] =	sst s10  }
0x35: {  	s10 =	sld [smem:$0x3FB9];
	_ =	sdelay $0x3  }
0x36: {  	p1 =	seq.s32 s10, $0x1;
	s10 =	sld [smem:$0x3FBA];
	_ =	sdelay $0x3  }
0x37: {  	[smem:$0x3FBA] =	sst s10  }
0x38: {  	s10 =	sld [smem:$0x3FBB]  }
0x39: {  	_ = 	snop;
	(pc) =	sbr.ind lr, $3  }
0x3a: {  	_ = 	snop  }
0x3b: {  	_ = 	snop  }
0x3c: {  	p2 =	seq.s32 s10, $0x1;
	s10 =	sld [smem:$0x3FBA]  }
0x3d: {  	_ =	shalt  }
0x3e: {  	_ =	shalt  }
0x3f: {  	_ =	shalt  }
0x40: {  	_ =	shalt  }
0x41: {  	_ =	shalt  }
0x42: {  	_ =	shalt  }
0x43: {  	_ =	shalt  }
0x44: {  	_ =	shalt  }
0x45: {  	_ =	shalt  }
0x46: {  	_ =	shalt  }
0x47: {  	_ =	shalt  }
0x48: {  	_ =	shalt  }
0x49: {  	_ =	shalt  }
0x4a: {  	_ =	shalt  }
0x4b: {  	_ =	shalt  }
0x4c: {  	_ =	shalt  }
0x4d: {  	_ =	shalt  }
0x4e: {  	_ =	shalt  }
0x4f: {  	_ =	shalt  }
0x50: {  	_ =	shalt  }
0x51: {  	_ =	shalt  }
0x52: {  	_ =	shalt  }
0x53: {  	_ =	shalt  }
0x54: {  	_ =	shalt  }
0x55: {  	_ =	shalt  }
0x56: {  	_ =	shalt  }
0x57: {  	_ =	shalt  }
0x58: {  	_ =	shalt  }
0x59: {  	_ =	shalt  }
0x5a: {  	_ =	shalt  }
0x5b: {  	_ =	shalt  }
0x5c: {  	_ =	shalt  }
0x5d: {  	_ =	shalt  }
0x5e: {  	_ =	shalt  }
0x5f: {  	_ =	shalt  }
0x60: {  	_ =	shalt  }
0x61: {  	_ =	shalt  }
0x62: {  	_ =	shalt  }
0x63: {  	_ =	shalt  }
0x64: {  	_ =	shalt  }
0x65: {  	_ =	shalt  }
0x66: {  	_ =	shalt  }
0x67: {  	_ =	shalt  }
0x68: {  	_ =	shalt  }
0x69: {  	_ =	shalt  }
0x6a: {  	_ =	shalt  }
0x6b: {  	_ =	shalt  }
0x6c: {  	_ =	shalt  }
0x6d: {  	_ =	shalt  }
0x6e: {  	_ =	shalt  }
0x6f: {  	_ =	shalt  }
0x70: {  	_ =	shalt  }
0x71: {  	_ =	shalt  }
0x72: {  	_ =	shalt  }
0x73: {  	_ =	shalt  }
0x74: {  	_ =	shalt  }
0x75: {  	_ =	shalt  }
0x76: {  	_ =	shalt  }
0x77: {  	_ =	shalt  }
0x78: {  	_ =	shalt  }
0x79: {  	_ =	shalt  }
0x7a: {  	_ =	shalt  }
0x7b: {  	_ =	shalt  }
0x7c: {  	_ =	shalt  }
0x7d: {  	_ =	shalt  }
0x7e: {  	_ =	shalt  }
0x7f: {  	_ =	shalt  }
0x80: {  	_ =	shalt  }
0x81: {  	_ =	shalt  }
0x82: {  	_ =	shalt  }
0x83: {  	_ =	shalt  }
0x84: {  	_ =	shalt  }
0x85: {  	_ =	shalt  }
0x86: {  	_ =	shalt  }
0x87: {  	_ =	shalt  }
.Lfunc_end0:
.L_simem_size_0:
called_computation.1_lowered:
.L_overlay_start_0:
0x88: {  	s2 =	sld [smem:$0x3FD9]  }
0x89: {  	s3 =	sld [smem:$0x3FFE];
	_ =	sdelay $0x1  }
0x8a: {  	s1 =	srdreg.scid  }
0x8b: {  	s0 =	sand.u32 $0x1, s1  }
0x8c: {  	s14 =	sshll.u32 s0, $0xA;
	s2 =	sadd.s32 s3, s2  }
0x8d: {  	s2 =	sadd.s32 s2, s14  }
0x8e: {  	[smem:$0x3FC6] =	sst s2  }
0x8f: {  	_ = 	snop  }
0x90: {  	s2 =	sld [smem:$0x3FD0];
	_ =	sdelay $0x2  }
0x91: {  	s15 =	simm.s32 $0xB;
	s4 =	simm.s32 $0x10  }
0x92: {  	[smem:s4], [sflag:s15] =	dma.local [hbm:s2], $0x1  }
0x93: {  	_ =	swait.eq [sflag:s15], $0x1  }
0x94: {  	[sflag:s15] =	ssyncset.done $0x0  }
0x95: {  	[sflag:s15] =	ssyncadd.s32 $0xFFFFFFFF  }
0x96: {  	s16 =	sld [smem:$0x10];
	(tm) =	ssettm $0x1  }
0x97: {  	s17 =	sld [smem:$0x3FFB];
	_ =	sdelay $0x3  }
0x98: {  	_ =	strace s17  }
0x99: {  	s3 =	sld [smem:$0x3FFC];
	_ =	sdelay $0x3  }
0x9a: {  	_ =	strace s3  }
0x9b: {  	s3 =	sld [smem:$0x3FFD];
	_ =	sdelay $0x3  }
0x9c: {  	_ =	strace s3  }
0x9d: {  	_ =	strace $0x8FFFFFFF  }
0x9e: {  	s18 =	sld [smem:$0x3FDB];
	_ =	sdelay $0x1  }
0x9f: {  	s19 =	simm.s32 $_scs_section_size  }
0xa0: {  	s5 =	simm.s32 $_size__tile_overlayer_lowered;
	s6 =	simm.s32 $_tile_overlayer_lowered  }
0xa1: {  	s22 =	simm.s32 $0x1BFF;
	s21 =	sshll.u32 s6, $0x1;
	s3 =	sadd.s32 s19, s18  }
0xa2: {  	s7 =	simm.s32 $0x0;
	s20 =	sshll.u32 s5, $0x1;
	s5 =	sadd.s32 s21, s3  }
0xa3: {  	[timem:s7], [sflag:s22] =	dma.local [hbm:s5], s20  }
0xa4: {  	_ =	swait.ge [sflag:s22], s20  }
0xa5: {  	s4 =	ssub.s32 $0x0, s20;
	[sflag:s22] =	ssyncset.done $0x0  }
0xa6: {  	[sflag:s22] =	ssyncadd.s32 s4;
	_ =	sdelay $0x1  }
0xa7: {  	s23 =	simm.s32 $0x1B8B  }
0xa8: {  	_ =	swait.ge [sflag:s23], $0x1  }
0xa9: {  	[sflag:s23] =	ssyncset.done $0x0  }
0xaa: {  	s25 =	simm.s32 $0x1B8E;
	s24 =	sld [smem:$0x3FFE];
	[sflag:s23] =	ssyncadd.s32 $0xFFFFFFFF  }
0xab: {  	s26 =	simm.s32 $execute0_lowered;
	[smem:$0x3FD2] =	sst s25  }
0xac: {  	s5 =	sshll.u32 s26, $0x1;
	_ =	strace $0x80000046;
	[dreg:$0x1] =	wrdreg $0xFFFFFFFF  }
0xad: {  	s28 =	simm.s32 $_size_execute0_lowered;
	s3 =	sadd.s32 s3, s5;
	[dreg:$0x0] =	wrdreg $0x0  }
0xae: {  	s5 =	sshll.u32 s28, $0x1;
	[dreg:$0x2] =	wrdreg s3  }
0xaf: {  	[dreg:$0x3] =	wrdreg s5  }
0xb0: {  	[dreg:$0x4] =	wrdreg $0xC0  }
0xb1: {  	_ =	task [dreg:s7], $0x5FFFF  }
0xb2: {  	[dreg:$0x1] =	wrdreg $0xFFFFFFFF  }
0xb3: {  	[dreg:$0x0] =	wrdreg $0x60  }
0xb4: {  	[dreg:$0x2] =	wrdreg s24  }
0xb5: {  	[dreg:$0x3] =	wrdreg s16  }
0xb6: {  	[dreg:$0x4] =	wrdreg $0x9  }
0xb7: {  	_ =	task.clear_ibuf [dreg:s7], $0x5FFFF;
	_ =	strace $0x90000046  }
0xb8: {  	s29 =	simm.s32 $0x9;
	_ =	strace $0x80000048  }
0xb9: {  	_ =	swait.ge [sflag:s29], $0x1  }
0xba: {  	[sflag:s29] =	ssyncadd.s32 $0xFFFFFFFF  }
0xbb: {  	_ =	strace $0x90000048  }
0xbc: {  	_ =	sfence  }
0xbd: {  	s30 =	sld [smem:$0x0];
	_ =	sdelay $0x2  }
0xbe: {  	s31 =	sshll.u32 s1, $0xD;
	s1 =	sshrl.u32 s1, $0x2  }
0xbf: {  	s3 =	sand.u32 $0x4000, s31;
	s1 =	sadd.s32 s1, s30  }
0xc0: {  	s0 =	sor.u32 s3, s0;
	s1 =	sshll.u32 s1, $0x11  }
0xc1: {  	s0 =	sor.u32 s1, s0  }
0xc2: {  	s0 =	sadd.s32 $0x8F2B, s0  }
0xc3: {  	[sflag:s0] =	ssyncadd.remote.s32 $0x1  }
0xc4: {  	_ =	sfence.sel $0xFFFF  }
0xc5: {  	[dreg:$0x0] =	wrdreg $0xFFFFFFFF;
	(pc) =	sbr.abs _section_cstart, $3  }
0xc6: {  	[dreg:$0x1] =	wrdreg $0xFFFFFFFF  }
0xc7: {  	_ =	task.clear_ibuf [dreg:s7], $0x2FFFF;
	_ =	strace $0x9FFFFFFF  }
0xc8: {  	(tm) =	ssettm $0x7FFFFFFF  }
0xc9: {  	_ =	shalt  }
tec
execute0_lowered:
.L_overlay_start_1:
0x0: {  	(tag) =	ssettag $0x1  }
0x1: {  	s0 =	rddreg [dreg:$0x0]  }
0x2: {  	s2 =	rddreg [dreg:$0x1]  }
0x3: {  	s1 =	srdreg.scid;
	s4 =	stileid.u32  }
0x4: {  	s3 =	simm.s32 $0x0;
	s12 =	simm.s32 $0x1000;
	s13 =	simm.s32 $0x3  }
0x5: {  	s14 =	simm.s32 $0x5;
	s15 =	simm.s32 $0x2000;
	s16 =	simm.s32 $0x1  }
0x6: {  	s17 =	simm.s32 $0x12000;
	s18 =	simm.s32 $0x12C00;
	s19 =	simm.s32 $0x4  }
0x7: {  	s20 =	simm.s32 $0x6;
	s21 =	simm.s32 $0xA000;
	s22 =	simm.s32 $0x2  }
0x8: {  	s23 =	simm.s32 $0x12200;
	s24 =	simm.s32 $0x7;
	s25 =	simm.s32 $0x0  }
0x9: {  	s1 =	sand.u32 $0x1, s1;
	s4 =	sshll.u32 s4, $0x1;
	[smem:$0x7FF] =	sst s3  }
0xa: {  	s5 =	sor.u32 s1, s4;
	_ =	strace $0x80000047;
	s1 =	ssub.s32 $0x2, s1  }
.Ltmp0:
0xb: {  	s4 =	sshll.u32 s5, $0xB;
	s6 =	sshll.u32 s5, $0x3;
	(pc) =	sbr.rel .LBB2_1-.Ltmp0, $4  }
0xc: {  	v0 =	vlaneseq.u32;
	v1 =	vimm.f32 $0.0e+00;
	s7 =	sshrl.u32 s1, $0x1;
	s5 =	sshll.u32 s5, $0x8;
	s9 =	sadd.s32 s4, s0  }
0xd: {  	vm0 =	vmmov $0xff;
	v7 =	vimm.f32 $1.000000000e+00;
	v5 =	vmul.u32 $0xFFFFFFFF, v0;
	s4 =	sadd.s32 $0x11E00, s0;
	s0 =	sadd.s32 s6, s0;
	s1 =	ssub.s32 s1, s7  }
0xe: {  	v2 =	vor.u32 $0x10, v0;
	v3 =	vor.u32 $0x20, v0;
	v6 =	vand.u32 $0x7, v0;
	s6 =	sadd.s32 $0x1E00, s9;
	s7 =	sadd.s32 $0x2000, s9;
	s8 =	sadd.s32 $0x2200, s9  }
0xf: {  	v4 =	vor.u32 $0x30, v0;
	v6 =	vmul.u32 $0x40, v6;
	v5 =	vadd.s32 $0xF, v5;
	s9 =	sadd.s32 $0x2400, s9;
	s10 =	sadd.s32 $0x13E00, s0;
	s11 =	smax.u32 s1, $0x1  }
.LBB2_21:
0x10: {  	_ =	swait.ge [sflag:s13], $0x8000  }
0x11: {  	[sflag:s13] =	ssyncset.done $0x0  }
0x12: {  	[sflag:s13] =	ssyncadd.s32 $0xFFFF8000  }
0x13: {  	_ =	swait.ge [sflag:s14], $0x200  }
0x14: {  	[sflag:s14] =	ssyncset.done $0x0  }
0x15: {  	[sflag:s14] =	ssyncadd.s32 $0xFFFFFE00  }
0x16: {  	_ =	swait.ge [sflag:s19], $0x8000  }
0x17: {  	[sflag:s19] =	ssyncset.done $0x0  }
0x18: {  	[sflag:s19] =	ssyncadd.s32 $0xFFFF8000  }
0x19: {  	s25 =	sadd.s32 $0x1, s25;
	_ =	swait.ge [sflag:s20], $0x200  }
0x1a: {  	p0 =	sne.s32 s25, s11;
	[sflag:s20] =	ssyncset.done $0x0  }
.Ltmp1:
0x1b: {  	[sflag:s20] =	ssyncadd.s32 $0xFFFFFE00;
	(pc) =	sbr.rel @!p0 .LBB2_22-.Ltmp1, $4  }
0x1c: {  	[hbm4b:s10+s3] =	stream.linear.scatter [tilespmem:s18], [sflag:$0x7], $0x40, $0x38;
	[tilespmem:$0x12C80] =	vst v63  }
0x1d: {  	_ =	swait.ge [sflag:s24], $0x40  }
0x1e: {  	[sflag:s24] =	ssyncset.done $0x0  }
0x1f: {  	[sflag:s24] =	ssyncadd.s32 $0xFFFFFFC0  }
.LBB2_1:
0x20: {  	s0 =	simm.s32 $0x0;
	s1 =	simm.s32 $0x200  }
.LBB2_2:
0x21: {  	p0 =	sne.s32 s1, $0x1FE00;
	[tilespmem:s0+$0x2070] =	vst v1  }
0x22: {  	[tilespmem:s0+$0x2000] =	vst v1  }
0x23: {  	[tilespmem:s0+$0x2010] =	vst v1  }
.Ltmp2:
0x24: {  	[tilespmem:s0+$0x2020] =	vst v1;
	(pc) =	sbr.rel @p0 .LBB2_2-.Ltmp2, $4  }
0x25: {  	[tilespmem:s0+$0x2030] =	vst v1  }
0x26: {  	[tilespmem:s0+$0x2040] =	vst v1  }
0x27: {  	[tilespmem:s0+$0x2050] =	vst v1  }
0x28: {  	[tilespmem:s0+$0x2060] =	vst v1;
	s0 =	sshra.s32 s1, $0x2;
	s1 =	sadd.s32 $0x200, s1  }
0x29: {  	[tilespmem:s0+$0x2070] =	vst v1  }
0x2a: {  	[tilespmem:s0+$0x2000] =	vst v1  }
0x2b: {  	[tilespmem:s0+$0x2010] =	vst v1  }
0x2c: {  	[tilespmem:s0+$0x2020] =	vst v1  }
0x2d: {  	[tilespmem:s0+$0x2030] =	vst v1  }
0x2e: {  	[tilespmem:s0+$0x2040] =	vst v1  }
0x2f: {  	[tilespmem:s0+$0x2050] =	vst v1  }
0x30: {  	[tilespmem:s0+$0x2060] =	vst v1;
	s0 =	simm.s32 $0x0;
	s1 =	simm.s32 $0x200  }
.LBB2_4:
0x31: {  	p0 =	sne.s32 s1, $0x1FE00;
	[tilespmem:s0+$0xA070] =	vst v1  }
0x32: {  	[tilespmem:s0+$0xA000] =	vst v1  }
0x33: {  	[tilespmem:s0+$0xA010] =	vst v1  }
.Ltmp3:
0x34: {  	[tilespmem:s0+$0xA020] =	vst v1;
	(pc) =	sbr.rel @p0 .LBB2_4-.Ltmp3, $4  }
0x35: {  	[tilespmem:s0+$0xA030] =	vst v1  }
0x36: {  	[tilespmem:s0+$0xA040] =	vst v1  }
0x37: {  	[tilespmem:s0+$0xA050] =	vst v1  }
0x38: {  	[tilespmem:s0+$0xA060] =	vst v1;
	s0 =	sshra.s32 s1, $0x2;
	s1 =	sadd.s32 $0x200, s1  }
0x39: {  	[tilespmem:s0+$0xA070] =	vst v1  }
0x3a: {  	[tilespmem:s0+$0xA000] =	vst v1  }
0x3b: {  	[tilespmem:s0+$0xA010] =	vst v1  }
0x3c: {  	[tilespmem:s0+$0xA020] =	vst v1  }
0x3d: {  	[tilespmem:s0+$0xA030] =	vst v1  }
0x3e: {  	[tilespmem:s0+$0xA040] =	vst v1  }
0x3f: {  	[tilespmem:s0+$0xA050] =	vst v1  }
0x40: {  	[tilespmem:s0+$0xA060] =	vst v1  }
0x41: {  	[tilespmem:$0x12C00] =	vst v1  }
0x42: {  	[tilespmem:$0x12C10] =	vst v1  }
0x43: {  	[tilespmem:$0x12C20] =	vst v1  }
0x44: {  	s28 =	simm.s32 $0x0;
	p0 =	por $0x0, $0x0;
	s0 =	smov.u32 s7;
	[tilespmem:$0x12C30] =	vst v1  }
0x45: {  	[tilespmem:s28], [sflag:$0x1] =	stream.linear.gather [hbm4b:s6+s28], $0x1000, $0x38;
	[tilespmem:$0x12C80] =	vst v63  }
.LBB2_6:
.Ltmp4:
0x46: {  	(pc) =	sbr.rel @!p0 .LBB2_10-.Ltmp4, $2  }
0x47: {  	_ =	sdelay $0x2  }
0x48: {  	[tilespmem:s12], [sflag:$0x2] =	stream.linear.gather [hbm4b:s0+s3], $0x1000, $0x38;
	[tilespmem:$0x12C80] =	vst v63  }
0x49: {  	_ =	swait.ge [sflag:s13], $0x8000  }
0x4a: {  	[sflag:s13] =	ssyncset.done $0x0  }
0x4b: {  	[sflag:s13] =	ssyncadd.s32 $0xFFFF8000  }
0x4c: {  	_ =	swait.ge [sflag:s14], $0x200  }
0x4d: {  	[sflag:s14] =	ssyncset.done $0x0  }
0x4e: {  	s1 =	simm.s32 $0x0;
	s0 =	simm.s32 $0x40;
	[sflag:s14] =	ssyncadd.s32 $0xFFFFFE00  }
.LBB2_8:
0x4f: {  	p1 =	sne.s32 s0, $0xFC0;
	v8 =	vld [tilespmem:s1+$0x12400];
	_ =	sdelay $0x3  }
.Ltmp5:
0x50: {  	(pc) =	sbr.rel @p1 .LBB2_8-.Ltmp5, $2  }
0x51: {  	_ =	sdelay $0x2  }
0x52: {  	s1 =	sshra.s32 s0, $0x2;
	s0 =	sadd.s32 $0x40, s0;
	[tilespmem:v8+s15+$0x0] =	vst.idx.msk $0xff, v1  }
0x53: {  	v8 =	vld [tilespmem:s1+$0x12400];
	_ =	sdelay $0x7  }
0x54: {  	[tilespmem:v8+s15+$0x0] =	vst.idx.msk $0xff, v1  }
.LBB2_10:
0x55: {  	_ =	swait.ge [sflag:s16], $0x1000  }
0x56: {  	[sflag:s16] =	ssyncset.done $0x0  }
0x57: {  	s29 =	simm.s32 $0x20;
	[sflag:s16] =	ssyncadd.s32 $0xFFFFF000  }
0x58: {  	v8 =	vld [tilespmem:s29+$0x10]  }
0x59: {  	v9 =	vld [tilespmem:s29+$0x0]  }
0x5a: {  	v10 =	vld [tilespmem:s29+$0xFFFFFFF0];
	_ =	sdelay $0x2  }
0x5b: {  	v11 =	vld [tilespmem:s29+$0xFFFFFFE0];
	(xrf1) =	vsort.dscd.msk.f32 $0xffff, v8, v4  }
0x5c: {  	(xrf1) =	vsort.dscd.msk.f32 $0xffff, v9, v3  }
0x5d: {  	(xrf1) =	vsort.dscd.msk.f32 $0xffff, v10, v2;
	_ =	sdelay $0x2  }
0x5e: {  	(xrf1) =	vsort.dscd.msk.f32 $0xffff, v11, v0;
	_ =	sdelay $0x8  }
0x5f: {  	v8, v9, _ =	vpop (xrf1)  }
0x60: {  	v10, v11, _ =	vpop (xrf1)  }
0x61: {  	v8 =	vperm.xlane v8, v5;
	v9 =	vperm.xlane v9, v5;
	v12, v13, _ =	vpop (xrf1)  }
0x62: {  	v12 =	vperm.xlane v12, v5  }
0x63: {  	v8 =	vsel vm0, v10, v8;
	v9 =	vsel vm0, v11, v9;
	v10 =	vperm.xlane v13, v5  }
0x64: {  	v11, v63, _ =	vpop (xrf1);
	(xrf1) =	vsort.dscd.msk.f32 $0xffff, v8, v9  }
0x65: {  	v8 =	vsel vm0, v11, v12;
	v9 =	vsel vm0, v63, v10  }
0x66: {  	(xrf1) =	vsort.dscd.msk.f32 $0xffff, v8, v9;
	_ =	sdelay $0xb  }
0x67: {  	v8, v9, _ =	vpop (xrf1)  }
0x68: {  	v8 =	vperm.xlane v8, v5;
	v9 =	vperm.xlane v9, v5  }
0x69: {  	v10, v11, _ =	vpop (xrf1)  }
0x6a: {  	v8 =	vsel vm0, v10, v8;
	v9 =	vsel vm0, v11, v9  }
0x6b: {  	(xrf1) =	vsort.dscd.msk.f32 $0xffff, v8, v9;
	_ =	sdelay $0xd  }
0x6c: {  	v9, v8, _ =	vpop (xrf1)  }
0x6d: {  	(xrf0) =	vmax.scan.msk.f32 $0xffff, v9;
	_ =	sdelay $0x5  }
0x6e: {  	v10, _, _ =	vpop (xrf0)  }
0x6f: {  	v10 =	vbroadcast v10, $0xF;
	_ =	sdelay $0x1  }
0x70: {  	v9 =	vsub.f32 v9, v10;
	_ =	sdelay $0x1  }
0x71: {  	v9 =	vmul.f32 $1.442695020e+00, v9;
	_ =	sdelay $0x1  }
0x72: {  	(erf) = vpow2.f32 v9;
	_ =	sdelay $0x8  }
0x73: {  	v9 =	vpop (erf)  }
0x74: {  	v9 =	vnsel vm0, $0x0, v9  }
0x75: {  	(xrf2) =	vadd.scan.msk.f32 $0xffff, v9;
	_ =	sdelay $0x9  }
0x76: {  	v10, _, _ =	vpop (xrf2)  }
0x77: {  	v10 =	vbroadcast v10, $0xF  }
0x78: {  	s30 =	simm.s32 $0x0  }
0x79: {  	(erf) = vrcp.f32 v10;
	v10 =	vadd.s32 s30, v8  }
0x7a: {  	v10 =	vadd.s32 v6, v10;
	_ =	sdelay $0x4  }
0x7b: {  	s31 =	simm.s32 $0x12400;
	[tilespmem:v10+s15+$0x0] =	vst.idx.msk $0xff, v7  }
0x7c: {  	[tilespmem:s31+$0x0] =	vst v10;
	v10 =	vadd.s32 s30, v0;
	_ =	sdelay $0x1  }
0x7d: {  	v11 =	vpop (erf)  }
0x7e: {  	s26 =	sshll.u32 s28, $0xA;
	s0 =	simm.s32 $0x200;
	v9 =	vmul.f32 v11, v9  }
.LBB2_11:
0x7f: {  	_ = 	snop  }
0x80: {  	s30 =	sadd.s32 $0x8, s30;
	s31 =	sadd.s32 $0x10, s31;
	s29 =	sadd.s32 $0x40, s29;
	[tilespmem:v10+s17+$0x0] =	vst.idx.msk $0xff, v9  }
0x81: {  	p1 =	sne.s32 s0, $0x7E00;
	s1 =	smov.u32 s0;
	s0 =	sadd.s32 $0x200, s0;
	[tilespmem:v8+s18+$0x0] =	vst.idx.add.f32.msk $0xff, v9  }
0x82: {  	v8 =	vld [tilespmem:s29+$0x10]  }
0x83: {  	v9 =	vld [tilespmem:s29+$0x0]  }
0x84: {  	v10 =	vld [tilespmem:s29+$0xFFFFFFF0];
	_ =	sdelay $0x1  }
0x85: {  	v11 =	vld [tilespmem:s29+$0xFFFFFFE0]  }
0x86: {  	(xrf1) =	vsort.dscd.msk.f32 $0xffff, v8, v4  }
0x87: {  	(xrf1) =	vsort.dscd.msk.f32 $0xffff, v9, v3  }
0x88: {  	(xrf1) =	vsort.dscd.msk.f32 $0xffff, v10, v2;
	_ =	sdelay $0x1  }
0x89: {  	(xrf1) =	vsort.dscd.msk.f32 $0xffff, v11, v0;
	_ =	sdelay $0x9  }
0x8a: {  	v8, v9, _ =	vpop (xrf1)  }
0x8b: {  	v8 =	vperm.xlane v8, v5;
	v9 =	vperm.xlane v9, v5;
	v10, v11, _ =	vpop (xrf1)  }
0x8c: {  	v12, v13, _ =	vpop (xrf1)  }
0x8d: {  	v12 =	vperm.xlane v12, v5;
	v8 =	vsel vm0, v10, v8;
	v9 =	vsel vm0, v11, v9  }
0x8e: {  	v10 =	vperm.xlane v13, v5;
	v11, v13, _ =	vpop (xrf1);
	(xrf1) =	vsort.dscd.msk.f32 $0xffff, v8, v9  }
0x8f: {  	v8 =	vsel vm0, v11, v12  }
0x90: {  	v9 =	vsel vm0, v13, v10  }
0x91: {  	(xrf1) =	vsort.dscd.msk.f32 $0xffff, v8, v9;
	_ =	sdelay $0xa  }
0x92: {  	v8, v9, _ =	vpop (xrf1)  }
0x93: {  	v8 =	vperm.xlane v8, v5;
	v9 =	vperm.xlane v9, v5;
	_ =	sdelay $0x1  }
0x94: {  	v10, v11, _ =	vpop (xrf1)  }
0x95: {  	v8 =	vsel vm0, v10, v8;
	v9 =	vsel vm0, v11, v9  }
0x96: {  	(xrf1) =	vsort.dscd.msk.f32 $0xffff, v8, v9;
	_ =	sdelay $0xd  }
0x97: {  	v9, v8, _ =	vpop (xrf1)  }
0x98: {  	v10 =	vadd.s32 s1, v8;
	(xrf0) =	vmax.scan.msk.f32 $0xffff, v9  }
0x99: {  	v10 =	vadd.s32 v6, v10;
	_ =	sdelay $0x4  }
0x9a: {  	[tilespmem:v10+s15+$0x0] =	vst.idx.msk $0xff, v7;
	v11, _, _ =	vpop (xrf0)  }
0x9b: {  	v11 =	vbroadcast v11, $0xF;
	[tilespmem:s31+$0x0] =	vst v10;
	_ =	sdelay $0x1  }
0x9c: {  	v9 =	vsub.f32 v9, v11;
	_ =	sdelay $0x1  }
0x9d: {  	v9 =	vmul.f32 $1.442695020e+00, v9;
	_ =	sdelay $0x1  }
0x9e: {  	(erf) = vpow2.f32 v9;
	_ =	sdelay $0x8  }
0x9f: {  	v9 =	vpop (erf)  }
0xa0: {  	v9 =	vnsel vm0, $0x0, v9  }
0xa1: {  	(xrf2) =	vadd.scan.msk.f32 $0xffff, v9;
	_ =	sdelay $0x9  }
0xa2: {  	v10, _, _ =	vpop (xrf2)  }
0xa3: {  	v10 =	vbroadcast v10, $0xF;
	_ =	sdelay $0x1  }
0xa4: {  	(erf) = vrcp.f32 v10;
	_ =	sdelay $0x5  }
.Ltmp6:
0xa5: {  	v10 =	vadd.s32 s30, v0;
	(pc) =	sbr.rel @p1 .LBB2_11-.Ltmp6, $3  }
0xa6: {  	_ =	sdelay $0x1  }
0xa7: {  	v11 =	vpop (erf)  }
0xa8: {  	v9 =	vmul.f32 v11, v9  }
0xa9: {  	_ =	sdelay $0x1  }
0xaa: {  	s0 =	sshll.u32 s28, $0x7  }
0xab: {  	s28 =	sor.u32 s5, s0  }
.Ltmp7:
0xac: {  	[tilespmem:v10+s17+$0x0] =	vst.idx.msk $0xff, v9;
	s0 =	sshll.u32 s28, $0x6;
	(pc) =	sbr.rel @!p0 .LBB2_13-.Ltmp7, $4  }
0xad: {  	[tilespmem:v8+s18+$0x0] =	vst.idx.add.f32.msk $0xff, v9;
	s0 =	sadd.s32 s2, s0  }
0xae: {  	[hbm4b:s0+s3] =	stream.linear.scatter [tilespmem:s15], [sflag:$0x3], $0x8000, $0x38;
	[tilespmem:$0x12C80] =	vst v63  }
0xaf: {  	s31 =	sadd.s32 s4, s28  }
0xb0: {  	[hbm4b:s31+s3] =	stream.linear.scatter [tilespmem:s17], [sflag:$0x5], $0x200, $0x38;
	[tilespmem:$0x12C80] =	vst v63  }
0xb1: {  	_ =	swait.ge [sflag:s19], $0x8000  }
0xb2: {  	[sflag:s19] =	ssyncset.done $0x0  }
0xb3: {  	[sflag:s19] =	ssyncadd.s32 $0xFFFF8000  }
0xb4: {  	_ =	swait.ge [sflag:s20], $0x200  }
0xb5: {  	[sflag:s20] =	ssyncset.done $0x0  }
0xb6: {  	s1 =	simm.s32 $0x0;
	s0 =	simm.s32 $0x40;
	[sflag:s20] =	ssyncadd.s32 $0xFFFFFE00  }
.LBB2_15:
0xb7: {  	p1 =	sne.s32 s0, $0xFC0;
	v8 =	vld [tilespmem:s1+$0x12800];
	_ =	sdelay $0x3  }
.Ltmp8:
0xb8: {  	(pc) =	sbr.rel @p1 .LBB2_15-.Ltmp8, $2  }
0xb9: {  	_ =	sdelay $0x2  }
0xba: {  	s1 =	sshra.s32 s0, $0x2;
	s0 =	sadd.s32 $0x40, s0;
	[tilespmem:v8+s21+$0x0] =	vst.idx.msk $0xff, v1  }
0xbb: {  	v8 =	vld [tilespmem:s1+$0x12800];
	_ =	sdelay $0x3  }
.Ltmp9:
0xbc: {  	_ = 	snop;
	(pc) =	sbr.rel .LBB2_17-.Ltmp9, $2  }
0xbd: {  	_ =	sdelay $0x2  }
0xbe: {  	[tilespmem:v8+s21+$0x0] =	vst.idx.msk $0xff, v1  }
.LBB2_13:
0xbf: {  	[tilespmem:s3], [sflag:$0x1] =	stream.linear.gather [hbm4b:s8+s3], $0x1000, $0x38;
	[tilespmem:$0x12C80] =	vst v63  }
.LBB2_17:
0xc0: {  	_ =	swait.ge [sflag:s22], $0x1000  }
0xc1: {  	[sflag:s22] =	ssyncset.done $0x0  }
0xc2: {  	s29 =	simm.s32 $0x1020;
	[sflag:s22] =	ssyncadd.s32 $0xFFFFF000  }
0xc3: {  	v8 =	vld [tilespmem:s29+$0x10]  }
0xc4: {  	v9 =	vld [tilespmem:s29+$0x0]  }
0xc5: {  	v10 =	vld [tilespmem:s29+$0xFFFFFFF0];
	_ =	sdelay $0x2  }
0xc6: {  	v11 =	vld [tilespmem:s29+$0xFFFFFFE0];
	(xrf1) =	vsort.dscd.msk.f32 $0xffff, v8, v4  }
0xc7: {  	(xrf1) =	vsort.dscd.msk.f32 $0xffff, v9, v3  }
0xc8: {  	(xrf1) =	vsort.dscd.msk.f32 $0xffff, v10, v2;
	_ =	sdelay $0x2  }
0xc9: {  	(xrf1) =	vsort.dscd.msk.f32 $0xffff, v11, v0;
	_ =	sdelay $0x8  }
0xca: {  	v8, v9, _ =	vpop (xrf1)  }
0xcb: {  	v10, v11, _ =	vpop (xrf1)  }
0xcc: {  	v8 =	vperm.xlane v8, v5;
	v9 =	vperm.xlane v9, v5;
	v12, v13, _ =	vpop (xrf1)  }
0xcd: {  	v12 =	vperm.xlane v12, v5  }
0xce: {  	v8 =	vsel vm0, v10, v8;
	v9 =	vsel vm0, v11, v9;
	v10 =	vperm.xlane v13, v5  }
0xcf: {  	v11, v63, _ =	vpop (xrf1);
	(xrf1) =	vsort.dscd.msk.f32 $0xffff, v8, v9  }
0xd0: {  	v8 =	vsel vm0, v11, v12;
	v9 =	vsel vm0, v63, v10  }
0xd1: {  	(xrf1) =	vsort.dscd.msk.f32 $0xffff, v8, v9;
	_ =	sdelay $0xb  }
0xd2: {  	v8, v9, _ =	vpop (xrf1)  }
0xd3: {  	v8 =	vperm.xlane v8, v5;
	v9 =	vperm.xlane v9, v5  }
0xd4: {  	v10, v11, _ =	vpop (xrf1)  }
0xd5: {  	v8 =	vsel vm0, v10, v8;
	v9 =	vsel vm0, v11, v9  }
0xd6: {  	(xrf1) =	vsort.dscd.msk.f32 $0xffff, v8, v9;
	_ =	sdelay $0xd  }
0xd7: {  	v9, v8, _ =	vpop (xrf1)  }
0xd8: {  	(xrf0) =	vmax.scan.msk.f32 $0xffff, v9;
	_ =	sdelay $0x5  }
0xd9: {  	v10, _, _ =	vpop (xrf0)  }
0xda: {  	v10 =	vbroadcast v10, $0xF;
	_ =	sdelay $0x1  }
0xdb: {  	v9 =	vsub.f32 v9, v10;
	_ =	sdelay $0x1  }
0xdc: {  	v9 =	vmul.f32 $1.442695020e+00, v9;
	_ =	sdelay $0x1  }
0xdd: {  	(erf) = vpow2.f32 v9;
	_ =	sdelay $0x8  }
0xde: {  	v9 =	vpop (erf)  }
0xdf: {  	v9 =	vnsel vm0, $0x0, v9  }
0xe0: {  	(xrf2) =	vadd.scan.msk.f32 $0xffff, v9;
	_ =	sdelay $0x9  }
0xe1: {  	v10, _, _ =	vpop (xrf2)  }
0xe2: {  	v10 =	vbroadcast v10, $0xF  }
0xe3: {  	s30 =	simm.s32 $0x0  }
0xe4: {  	(erf) = vrcp.f32 v10;
	v10 =	vadd.s32 s30, v8  }
0xe5: {  	v10 =	vadd.s32 v6, v10;
	_ =	sdelay $0x4  }
0xe6: {  	s31 =	simm.s32 $0x12800;
	[tilespmem:v10+s21+$0x0] =	vst.idx.msk $0xff, v7  }
0xe7: {  	[tilespmem:s31+$0x0] =	vst v10;
	v10 =	vadd.s32 s30, v0;
	_ =	sdelay $0x1  }
0xe8: {  	v11 =	vpop (erf)  }
0xe9: {  	s0 =	simm.s32 $0x200;
	v9 =	vmul.f32 v11, v9  }
.LBB2_18:
0xea: {  	_ = 	snop  }
0xeb: {  	s30 =	sadd.s32 $0x8, s30;
	s31 =	sadd.s32 $0x10, s31;
	s29 =	sadd.s32 $0x40, s29;
	[tilespmem:v10+s23+$0x0] =	vst.idx.msk $0xff, v9  }
0xec: {  	p1 =	sne.s32 s0, $0x7E00;
	s1 =	smov.u32 s0;
	s0 =	sadd.s32 $0x200, s0;
	[tilespmem:v8+s18+$0x0] =	vst.idx.add.f32.msk $0xff, v9  }
0xed: {  	v8 =	vld [tilespmem:s29+$0x10]  }
0xee: {  	v9 =	vld [tilespmem:s29+$0x0]  }
0xef: {  	v10 =	vld [tilespmem:s29+$0xFFFFFFF0];
	_ =	sdelay $0x1  }
0xf0: {  	v11 =	vld [tilespmem:s29+$0xFFFFFFE0]  }
0xf1: {  	(xrf1) =	vsort.dscd.msk.f32 $0xffff, v8, v4  }
0xf2: {  	(xrf1) =	vsort.dscd.msk.f32 $0xffff, v9, v3  }
0xf3: {  	(xrf1) =	vsort.dscd.msk.f32 $0xffff, v10, v2;
	_ =	sdelay $0x1  }
0xf4: {  	(xrf1) =	vsort.dscd.msk.f32 $0xffff, v11, v0;
	_ =	sdelay $0x9  }
0xf5: {  	v8, v9, _ =	vpop (xrf1)  }
0xf6: {  	v8 =	vperm.xlane v8, v5;
	v9 =	vperm.xlane v9, v5;
	v10, v11, _ =	vpop (xrf1)  }
0xf7: {  	v12, v13, _ =	vpop (xrf1)  }
0xf8: {  	v12 =	vperm.xlane v12, v5;
	v8 =	vsel vm0, v10, v8;
	v9 =	vsel vm0, v11, v9  }
0xf9: {  	v10 =	vperm.xlane v13, v5;
	v11, v13, _ =	vpop (xrf1);
	(xrf1) =	vsort.dscd.msk.f32 $0xffff, v8, v9  }
0xfa: {  	v8 =	vsel vm0, v11, v12  }
0xfb: {  	v9 =	vsel vm0, v13, v10  }
0xfc: {  	(xrf1) =	vsort.dscd.msk.f32 $0xffff, v8, v9;
	_ =	sdelay $0xa  }
0xfd: {  	v8, v9, _ =	vpop (xrf1)  }
0xfe: {  	v8 =	vperm.xlane v8, v5;
	v9 =	vperm.xlane v9, v5;
	_ =	sdelay $0x1  }
0xff: {  	v10, v11, _ =	vpop (xrf1)  }
0x100: {  	v8 =	vsel vm0, v10, v8;
	v9 =	vsel vm0, v11, v9  }
0x101: {  	(xrf1) =	vsort.dscd.msk.f32 $0xffff, v8, v9;
	_ =	sdelay $0xd  }
0x102: {  	v9, v8, _ =	vpop (xrf1)  }
0x103: {  	v10 =	vadd.s32 s1, v8;
	(xrf0) =	vmax.scan.msk.f32 $0xffff, v9  }
0x104: {  	v10 =	vadd.s32 v6, v10;
	_ =	sdelay $0x4  }
0x105: {  	[tilespmem:v10+s21+$0x0] =	vst.idx.msk $0xff, v7;
	v11, _, _ =	vpop (xrf0)  }
0x106: {  	v11 =	vbroadcast v11, $0xF;
	[tilespmem:s31+$0x0] =	vst v10;
	_ =	sdelay $0x1  }
0x107: {  	v9 =	vsub.f32 v9, v11;
	_ =	sdelay $0x1  }
0x108: {  	v9 =	vmul.f32 $1.442695020e+00, v9;
	_ =	sdelay $0x1  }
0x109: {  	(erf) = vpow2.f32 v9;
	_ =	sdelay $0x8  }
0x10a: {  	v9 =	vpop (erf)  }
0x10b: {  	v9 =	vnsel vm0, $0x0, v9  }
0x10c: {  	(xrf2) =	vadd.scan.msk.f32 $0xffff, v9;
	_ =	sdelay $0x9  }
0x10d: {  	v10, _, _ =	vpop (xrf2)  }
0x10e: {  	v10 =	vbroadcast v10, $0xF;
	_ =	sdelay $0x1  }
0x10f: {  	(erf) = vrcp.f32 v10;
	_ =	sdelay $0x5  }
.Ltmp10:
0x110: {  	v10 =	vadd.s32 s30, v0;
	(pc) =	sbr.rel @p1 .LBB2_18-.Ltmp10, $3  }
0x111: {  	_ =	sdelay $0x1  }
0x112: {  	v11 =	vpop (erf)  }
0x113: {  	v9 =	vmul.f32 v11, v9  }
0x114: {  	_ =	sdelay $0x1  }
0x115: {  	s0 =	sor.u32 $0x40, s28  }
0x116: {  	s1 =	sshll.u32 s0, $0x6  }
.Ltmp11:
0x117: {  	[tilespmem:v10+s23+$0x0] =	vst.idx.msk $0xff, v9;
	s1 =	sand.u32 $0x1FFFF000, s1;
	(pc) =	sbr.rel @p0 .LBB2_21-.Ltmp11, $4  }
0x118: {  	[tilespmem:v8+s18+$0x0] =	vst.idx.add.f32.msk $0xff, v9;
	s1 =	sadd.s32 s2, s1  }
0x119: {  	[hbm4b:s1+s3] =	stream.linear.scatter [tilespmem:s21], [sflag:$0x4], $0x8000, $0x38;
	[tilespmem:$0x12C80] =	vst v63  }
0x11a: {  	s0 =	sadd.s32 s4, s0  }
0x11b: {  	[hbm4b:s0+s3] =	stream.linear.scatter [tilespmem:s23], [sflag:$0x6], $0x200, $0x38;
	[tilespmem:$0x12C80] =	vst v63  }
.Ltmp12:
0x11c: {  	(pc) =	sbr.rel .LBB2_6-.Ltmp12, $2  }
0x11d: {  	_ =	sdelay $0x2  }
0x11e: {  	s0 =	sadd.s32 s26, s9;
	s28 =	simm.s32 $0x1;
	p0 =	por $0x1, $0x1  }
.LBB2_22:
0x11f: {  	_ =	sfence.sel $0x180000  }
0x120: {  	[bflag:$0x0] =	sbarrier.arrive $0xFFFF  }
0x121: {  	_ =	strace $0x90000047  }
0x122: {  	s0 =	stileid.u32;
	[bflag:$0x2] =	sbarrier.arrive $0xFFFF  }
0x123: {  	p0 =	sne.s32 s0, $0x0;
	s0 =	rddreg [dreg:$0x2]  }
0x124: {  	s0 =	sadd.s32 @!p0 $0x100000, s0  }
0x125: {  	[sflag:s0] =	ssyncadd.tile.s32 @!p0 $0x1;
	_ =	shalt  }
.Lfunc_end2:
_tile_overlayer_lowered:
.L_overlay_start_2:
0x126: {  	(tag) =	ssettag $0x2  }
0x127: {  	s0 =	rddreg [dreg:$0x0];
	s2 =	stileid.u32  }
0x128: {  	s1 =	rddreg [dreg:$0x1];
	p0 =	sne.s32 s2, $0x0  }
0x129: {  	s3 =	rddreg [dreg:$0x2];
	[bflag:$0x3] =	sbarrier.arrive $0xFFFF;
	s2 =	simm.s32 @!p0 $0x1C07  }
0x12a: {  	[timem:s3], [sflag:s2] =	dma.local @!p0 [hbm:s0], s1  }
0x12b: {  	s0 =	simm.s32 @!p0 $0x7  }
0x12c: {  	_ =	swait.ge @!p0 [sflag:s0], s1  }
0x12d: {  	s1 =	ssub.s32 @!p0 $0x0, s1;
	[sflag:s0] =	ssyncset.done @!p0 $0x0  }
0x12e: {  	[sflag:s0] =	ssyncadd.s32 @!p0 s1  }
0x12f: {  	[bflag:$0x3] =	sbarrier.arrive $0xFFFF  }
0x130: {  	_ =	shalt  }

// kernel: sparse-core-data-format-call.cloned.1.call-start
scs
called_computation_lowered:
.L_overlay_start_0:
0x0: {  	s2 =	sld [smem:$0x3FD9]  }
0x1: {  	s3 =	sld [smem:$0x3FFE];
	_ =	sdelay $0x1  }
0x2: {  	s1 =	srdreg.scid  }
0x3: {  	s0 =	sand.u32 $0x1, s1  }
0x4: {  	s15 =	sshll.u32 s0, $0xA;
	s2 =	sadd.s32 s3, s2  }
0x5: {  	s2 =	sadd.s32 s2, s15  }
0x6: {  	[smem:$0x3FC6] =	sst s2  }
0x7: {  	_ = 	snop  }
0x8: {  	s2 =	sld [smem:$0x3FD0];
	_ =	sdelay $0x2  }
0x9: {  	s16 =	simm.s32 $0xB;
	s4 =	simm.s32 $0x10  }
0xa: {  	[smem:s4], [sflag:s16] =	dma.local [hbm:s2], $0x1  }
0xb: {  	_ =	swait.eq [sflag:s16], $0x1  }
0xc: {  	[sflag:s16] =	ssyncset.done $0x0  }
0xd: {  	[sflag:s16] =	ssyncadd.s32 $0xFFFFFFFF  }
0xe: {  	s17 =	sld [smem:$0x10];
	(tm) =	ssettm $0x1  }
0xf: {  	s18 =	sld [smem:$0x3FFB];
	_ =	sdelay $0x3  }
0x10: {  	_ =	strace s18  }
0x11: {  	s3 =	sld [smem:$0x3FFC];
	_ =	sdelay $0x3  }
0x12: {  	_ =	strace s3  }
0x13: {  	s3 =	sld [smem:$0x3FFD];
	_ =	sdelay $0x3  }
0x14: {  	_ =	strace s3  }
0x15: {  	_ =	strace $0x8FFFFFFF  }
0x16: {  	s19 =	sld [smem:$0x3FDB];
	_ =	sdelay $0x1  }
0x17: {  	s20 =	simm.s32 $_scs_section_size  }
0x18: {  	s5 =	simm.s32 $_size__tile_overlayer_lowered;
	s6 =	simm.s32 $_tile_overlayer_lowered  }
0x19: {  	s23 =	simm.s32 $0x1BFF;
	s22 =	sshll.u32 s6, $0x1;
	s3 =	sadd.s32 s20, s19  }
0x1a: {  	s7 =	simm.s32 $0x0;
	s21 =	sshll.u32 s5, $0x1;
	s5 =	sadd.s32 s22, s3  }
0x1b: {  	[timem:s7], [sflag:s23] =	dma.local [hbm:s5], s21  }
0x1c: {  	_ =	swait.ge [sflag:s23], s21  }
0x1d: {  	s4 =	ssub.s32 $0x0, s21;
	[sflag:s23] =	ssyncset.done $0x0  }
0x1e: {  	[sflag:s23] =	ssyncadd.s32 s4;
	_ =	sdelay $0x1  }
0x1f: {  	s24 =	simm.s32 $0x1B8B  }
0x20: {  	_ =	swait.ge [sflag:s24], $0x1  }
0x21: {  	[sflag:s24] =	ssyncset.done $0x0  }
0x22: {  	s26 =	simm.s32 $0x1B8E;
	s25 =	sld [smem:$0x3FFE];
	[sflag:s24] =	ssyncadd.s32 $0xFFFFFFFF  }
0x23: {  	s27 =	simm.s32 $execute0_lowered;
	[smem:$0x3FD2] =	sst s26  }
0x24: {  	s5 =	sshll.u32 s27, $0x1;
	_ =	strace $0x8000004C;
	[dreg:$0x1] =	wrdreg $0xFFFFFFFF  }
0x25: {  	s28 =	simm.s32 $_size_execute0_lowered;
	s3 =	sadd.s32 s3, s5;
	[dreg:$0x0] =	wrdreg $0x0  }
0x26: {  	s5 =	sshll.u32 s28, $0x1;
	[dreg:$0x2] =	wrdreg s3  }
0x27: {  	[dreg:$0x3] =	wrdreg s5  }
0x28: {  	[dreg:$0x4] =	wrdreg $0xC0  }
0x29: {  	_ =	task [dreg:s7], $0x5FFFF  }
0x2a: {  	[dreg:$0x1] =	wrdreg $0xFFFFFFFF  }
0x2b: {  	[dreg:$0x0] =	wrdreg $0x60  }
0x2c: {  	[dreg:$0x2] =	wrdreg s25  }
0x2d: {  	[dreg:$0x3] =	wrdreg s17  }
0x2e: {  	[dreg:$0x4] =	wrdreg $0x9  }
0x2f: {  	_ =	task.clear_ibuf [dreg:s7], $0x5FFFF;
	_ =	strace $0x9000004C  }
0x30: {  	s29 =	simm.s32 $0x9;
	_ =	strace $0x8000004E  }
0x31: {  	_ =	swait.ge [sflag:s29], $0x1  }
0x32: {  	[sflag:s29] =	ssyncadd.s32 $0xFFFFFFFF  }
0x33: {  	_ =	strace $0x9000004E  }
0x34: {  	_ =	sfence  }
0x35: {  	s30 =	sld [smem:$0x0];
	_ =	sdelay $0x2  }
0x36: {  	s31 =	sshll.u32 s1, $0xD;
	s1 =	sshrl.u32 s1, $0x2  }
0x37: {  	s3 =	sand.u32 $0x4000, s31;
	s1 =	sadd.s32 s1, s30  }
0x38: {  	s0 =	sor.u32 s3, s0;
	s1 =	sshll.u32 s1, $0x11  }
0x39: {  	s0 =	sor.u32 s1, s0  }
0x3a: {  	s0 =	sadd.s32 $0x8F2B, s0  }
0x3b: {  	[sflag:s0] =	ssyncadd.remote.s32 $0x1  }
0x3c: {  	_ =	sfence.sel $0xFFFF  }
0x3d: {  	[dreg:$0x0] =	wrdreg $0xFFFFFFFF;
	(pc) =	sbr.abs _section_cstart, $3  }
0x3e: {  	[dreg:$0x1] =	wrdreg $0xFFFFFFFF  }
0x3f: {  	_ =	task.clear_ibuf [dreg:s7], $0x2FFFF;
	_ =	strace $0x9FFFFFFF  }
0x40: {  	(tm) =	ssettm $0x7FFFFFFF  }
0x41: {  	_ =	shalt  }
tec
execute0_lowered:
.L_overlay_start_1:
0x0: {  	(tag) =	ssettag $0x1  }
0x1: {  	s0 =	srdreg.scid  }
0x2: {  	s1 =	sshll.u32 s0, $0x4  }
0x3: {  	s6 =	rddreg [dreg:$0x0];
	s0 =	stileid.u32;
	s1 =	sand.u32 $0x10, s1  }
0x4: {  	s3 =	rddreg [dreg:$0x1];
	s5 =	simm.s32 $0x1;
	s1 =	sor.u32 s0, s1  }
0x5: {  	s31 =	simm.s32 $0x2;
	s12 =	simm.s32 $0x0;
	s2 =	sshll.u32 s1, $0x7  }
0x6: {  	s8 =	simm.s32 $0x20000;
	s13 =	simm.s32 $0x0;
	s4 =	ssub.s32 $0x4000, s2  }
0x7: {  	s9 =	simm.s32 $0x0;
	s11 =	simm.s32 $0x0;
	s30 =	sand.u32 $0xF80, s4  }
.Ltmp0:
0x8: {  	s6 =	sadd.s32 $0x1A4200, s6;
	p0 =	sne.s32 s30, $0x0;
	(pc) =	sbr.rel .LBB1_1-.Ltmp0, $4  }
0x9: {  	s1 =	rddreg [dreg:$0x2];
	s7 =	sshrl.u32 s4, $0xC;
	s5 =	simm.s32 @!p0 $0x0  }
0xa: {  	_ =	strace $0x8000004D;
	s4 =	simm.s32 $0x1;
	s5 =	sadd.s32 s5, s7  }
0xb: {  	s10 =	smov.u32 s2;
	[sflag:s4] =	ssyncpa.u1 $0x0;
	s5 =	sshll.u32 s5, $0x3  }
0xc: {  	[sflag:s31] =	ssyncpa.u1 $0x0;
	p0 =	por $0x0, $0x0;
	s7 =	sor.u32 $0x1, s5  }
.LBB1_4:
0xd: {  	s16 =	sshll.u32 s13, $0x3;
	s17 =	sand.u32 $0x78, s13  }
0xe: {  	s30 =	sand.u32 $0x1F800, s13;
	s12 =	sshll.u32 s12, $0x11;
	s16 =	sand.u32 $0x3C00, s16  }
0xf: {  	[tilespmem:s15+$0x810 ss:$0x81] =	vst.msk $0xffff, v2;
	s31 =	sand.u32 $0x7, s13;
	s16 =	sor.u32 s17, s16;
	s17 =	sadd.s32 s3, s30  }
0x10: {  	[tilespmem:s15+$0x1020 ss:$0x81] =	vst.msk $0xffff, v0;
	s13 =	sshll.u32 s31, $0x12;
	s12 =	sadd.s32 s12, s17;
	s16 =	sshrl.u32 s16, $0x3  }
0x11: {  	[tilespmem:s15+$0x0 ss:$0x81] =	vst.msk $0xffff, v1;
	s13 =	sor.u32 $0x400, s13;
	s12 =	sadd.s32 s16, s12  }
0x12: {  	[hbm4b:s12+s13] =	stream.strided.scatter [tilespmem:s14], [sflag:$0x2], $0x2000, s8, s13, $0x20;
	[tilespmem:$0x8080] =	vst v63  }
.LBB1_5:
0x13: {  	s14 =	sadd.s32 $0x1, s9  }
0x14: {  	s12 =	sadd.s32 $0x1000, s10;
	s16 =	smov.u32 s10;
	p2 =	sgt.s32 s14, $0x7  }
0x15: {  	s16 =	smov.u32 @p2 s12  }
0x16: {  	s14 =	simm.s32 @p2 $0x0;
	p2 =	sgt.s32 s16, $0x3FFF  }
0x17: {  	s16 =	smov.u32 @p2 s2;
	p2 =	sne.s32 s11, s7  }
.Ltmp1:
0x18: {  	p1 =	slt.u32 s11, $0x2;
	(pc) =	sbr.rel @!p2 .LBB1_6-.Ltmp1, $4  }
0x19: {  	s15 =	simm.s32 @!p1 $0x2  }
0x1a: {  	s13 =	smov.u32 s10;
	p0 =	por !p0, !p0;
	_ =	swait.ge @!p1 [sflag:s15], $0x2000  }
0x1b: {  	s12 =	smov.u32 s9;
	[sflag:s15] =	ssyncset.done @!p1 $0x0;
	s9 =	smov.u32 s14  }
0x1c: {  	s11 =	sadd.s32 $0x1, s11;
	[sflag:s15] =	ssyncadd.s32 @!p1 $0xFFFFE000;
	s10 =	smov.u32 s16  }
.LBB1_1:
0x1d: {  	p1 =	sge.u32 s11, s5  }
0x1e: {  	s31 =	sadd.s32 $0xFFFFFFFF, s11;
	s14 =	sxor.u32 @!p1 $0xFFFFFFFF, s11  }
0x1f: {  	s15 =	sshll.u32 @!p1 s10, $0x7;
	s16 =	sshll.u32 @!p1 s9, $0x4;
	s17 =	simm.s32 @!p1 $0x400  }
0x20: {  	s14 =	sshll.u32 @!p1 s14, $0xD;
	s16 =	sand.u32 @!p1 $0x70, s16;
	s15 =	sadd.s32 @!p1 s6, s15  }
0x21: {  	s14 =	sand.u32 @!p1 $0x2000, s14;
	s15 =	sadd.s32 @!p1 s16, s15;
	s16 =	simm.s32 @!p1 $0x40  }
0x22: {  	[tilespmem:s14], [sflag:$0x1] =	stream.strided.gather @!p1 [hbm4b:s15+s16], $0x2000, s17, s16, $0x38;
	[tilespmem:$0x8080] =	vst v63  }
0x23: {  	p1 =	sge.u32 s31, s5  }
.Ltmp2:
0x24: {  	_ = 	snop;
	(pc) =	sbr.rel @p1 .LBB1_5-.Ltmp2, $1  }
0x25: {  	_ =	sdelay $0x3  }
0x26: {  	s14 =	simm.s32 $0x1  }
0x27: {  	_ =	swait.ge [sflag:s4], $0x2000;
	s14 =	simm.s32 @!p0 $0x0  }
0x28: {  	[sflag:s4] =	ssyncset.done $0x0;
	s15 =	sshll.u32 s14, $0xD  }
0x29: {  	[sflag:s4] =	ssyncadd.s32 $0xFFFFE000;
	s18 =	sor.u32 $0x20, s15  }
0x2a: {  	s14 =	smul.u32 $0x8100, s14;
	v3 =	vld [tilespmem:s18+$0x10]  }
0x2b: {  	s30 =	sand.u32 $0x1, s11;
	v2 =	vld [tilespmem:s18+$0xFFFFFFF0]  }
0x2c: {  	s15 =	smul.u32 $0x8100, s30;
	s14 =	sshrl.u32 s14, $0x2;
	v0 =	vld [tilespmem:s18+$0x0]  }
0x2d: {  	v1 =	vld [tilespmem:s18+$0xFFFFFFE0];
	s16 =	sor.u32 $0x4000, s14  }
0x2e: {  	s31 =	sshrl.u32 s15, $0x2;
	s15 =	sadd.s32 $0x0, s16  }
0x2f: {  	s17 =	simm.s32 $0x4;
	s18 =	sadd.s32 $0x40, s18;
	s14 =	sor.u32 $0x4000, s31;
	[tilespmem:s15+$0x1830 ss:$0x81] =	vst.msk $0xffff, v3  }
.LBB1_3:
0x30: {  	v3 =	vld [tilespmem:s18+$0x10];
	p1 =	sne.s32 s17, $0x1FC;
	[tilespmem:s15+$0x810 ss:$0x81] =	vst.msk $0xffff, v2;
	s19 =	smov.u32 s17;
	s17 =	sadd.s32 $0x4, s17  }
.Ltmp3:
0x31: {  	v2 =	vld [tilespmem:s18+$0xFFFFFFF0];
	[tilespmem:s15+$0x1020 ss:$0x81] =	vst.msk $0xffff, v0;
	(pc) =	sbr.rel @p1 .LBB1_3-.Ltmp3, $4  }
0x32: {  	v0 =	vld [tilespmem:s18+$0x0];
	[tilespmem:s15+$0x0 ss:$0x81] =	vst.msk $0xffff, v1  }
0x33: {  	s15 =	sshra.s32 s19, $0x2;
	v1 =	vld [tilespmem:s18+$0xFFFFFFE0]  }
0x34: {  	s15 =	sadd.s32 s15, s16  }
0x35: {  	s18 =	sadd.s32 $0x40, s18;
	[tilespmem:s15+$0x1830 ss:$0x81] =	vst.msk $0xffff, v3  }
.Ltmp4:
0x36: {  	_ = 	snop;
	(pc) =	sbr.rel .LBB1_4-.Ltmp4, $1  }
0x37: {  	_ =	sdelay $0x3  }
.LBB1_6:
0x38: {  	_ =	sfence.sel $0x180000  }
0x39: {  	s2 =	simm.s32 $0x1;
	[bflag:$0x0] =	sbarrier.arrive $0xFFFF  }
0x3a: {  	s31 =	simm.s32 $0x2;
	[sflag:s2] =	ssyncpa.u1 $0x1  }
0x3b: {  	[sflag:s31] =	ssyncpa.u1 $0x1  }
0x3c: {  	p0 =	sne.s32 s0, $0x0;
	_ =	strace $0x9000004D  }
0x3d: {  	s0 =	sadd.s32 @!p0 $0x100000, s1;
	[bflag:$0x2] =	sbarrier.arrive $0xFFFF  }
0x3e: {  	[sflag:s0] =	ssyncadd.tile.s32 @!p0 $0x1;
	_ =	shalt  }
.Lfunc_end1:
_tile_overlayer_lowered:
.L_overlay_start_2:
0x3f: {  	(tag) =	ssettag $0x2  }
0x40: {  	s0 =	rddreg [dreg:$0x0];
	s2 =	stileid.u32  }
0x41: {  	s1 =	rddreg [dreg:$0x1];
	p0 =	sne.s32 s2, $0x0  }
0x42: {  	s3 =	rddreg [dreg:$0x2];
	[bflag:$0x3] =	sbarrier.arrive $0xFFFF;
	s2 =	simm.s32 @!p0 $0x1C01  }
0x43: {  	[timem:s3], [sflag:s2] =	dma.local @!p0 [hbm:s0], s1  }
0x44: {  	s0 =	simm.s32 @!p0 $0x1  }
0x45: {  	_ =	swait.ge @!p0 [sflag:s0], s1  }
0x46: {  	s1 =	ssub.s32 @!p0 $0x0, s1;
	[sflag:s0] =	ssyncset.done @!p0 $0x0  }
0x47: {  	[sflag:s0] =	ssyncadd.s32 @!p0 s1  }
0x48: {  	[bflag:$0x3] =	sbarrier.arrive $0xFFFF  }
0x49: {  	_ =	shalt  }

</sc_bundles>
